<compile_context>
chip_gen: v7x
topology: tpu7x:2x2x1
jax: 0.10.2.dev20260603
libtpu: 0.0.44.dev20260713+nightly
codegen_flags: <defaults>
</compile_context>

<pallas_src>
import functools

import jax
import jax.numpy as jnp
from jax import lax
from jax.experimental import pallas as pl
from jax.experimental.pallas import tpu as pltpu
from jax.experimental.pallas import tpu_sc as plsc

_G = 128
_NG = 5
_SUP = _G * _NG


@functools.lru_cache(maxsize=None)
def _build(total, rows, dim):
    info = plsc.get_sparse_core_info()
    num_workers = info.num_cores * info.num_subcores
    per_worker = total // num_workers
    assert per_worker * num_workers == total
    n_sup = per_worker // _SUP
    assert n_sup * _SUP == per_worker and n_sup >= 4 and n_sup % 2 == 0
    mesh = plsc.VectorSubcoreMesh(core_axis_name="c", subcore_axis_name="s")

    @functools.partial(
        pl.kernel,
        mesh=mesh,
        out_type=jax.ShapeDtypeStruct((total, dim), jnp.float32),
        scratch_types=[
            pltpu.VMEM_SHARED((rows, dim), jnp.float32),
            pltpu.VMEM((2, _SUP), jnp.int32),
            pltpu.VMEM((2, _SUP, dim), jnp.float32),
            pltpu.SemaphoreType.DMA,
            pltpu.SemaphoreType.DMA,
            pltpu.SemaphoreType.DMA,
            pltpu.SemaphoreType.DMA,
            pltpu.SemaphoreType.DMA,
            pltpu.SemaphoreType.DMA,
        ],
        compiler_params=pltpu.CompilerParams(use_tc_tiling_on_sc=False),
    )
    def lookup(x_hbm, table_hbm, out_hbm, table_sh, idx_v, rows_v, si0, si1,
               sg0, sg1, so0, so1):
        sems_i = (si0, si1)
        sems_g = (sg0, sg1)
        sems_o = (so0, so1)
        sid = lax.axis_index("s")
        wid = sid * info.num_cores + lax.axis_index("c")
        base = wid * per_worker

        @pl.when(sid == 0)
        def _():
            pltpu.sync_copy(table_hbm, table_sh)

        plsc.subcore_barrier()

        def idx_copy(s, b):
            return pltpu.make_async_copy(
                x_hbm.at[pl.ds(base + s * _SUP, _SUP)], idx_v.at[b], sems_i[b])

        def out_copy(s, b):
            return pltpu.make_async_copy(
                rows_v.at[b], out_hbm.at[pl.ds(base + s * _SUP, _SUP)],
                sems_o[b])

        def gather(b):
            for k in range(_NG):
                pltpu.make_async_copy(
                    table_sh.at[idx_v.at[b, pl.ds(k * _G, _G)]],
                    rows_v.at[b, pl.ds(k * _G, _G)], sems_g[b]).start()
            for k in range(_NG):
                pltpu.make_async_copy(
                    table_sh.at[idx_v.at[b, pl.ds(k * _G, _G)]],
                    rows_v.at[b, pl.ds(k * _G, _G)], sems_g[b]).wait()

        idx_copy(0, 0).start()
        idx_copy(1, 1).start()
        for b in range(2):
            idx_copy(b, b).wait()
            gather(b)
            idx_copy(b + 2, b).start()
            out_copy(b, b).start()

        def body(t, carry):
            s0 = 2 * t
            for b in range(2):
                s = s0 + b
                idx_copy(s, b).wait()
                out_copy(s - 2, b).wait()
                gather(b)
                idx_copy(s + 2, b).start()
                out_copy(s, b).start()
            return carry

        lax.fori_loop(1, n_sup // 2 - 1, body, 0)

        for b in range(2):
            s = n_sup - 2 + b
            idx_copy(s, b).wait()
            out_copy(s - 2, b).wait()
            gather(b)
            out_copy(s, b).start()
        for b in range(2):
            out_copy(n_sup - 2 + b, b).wait()

    return lookup


def kernel(x, table):
    batch, hist = x.shape
    dim = table.shape[1]
    flat = x.reshape(-1).astype(jnp.int32)
    out = _build(flat.shape[0], table.shape[0], dim)(
        flat, table.astype(jnp.float32))
    return out.reshape(batch, hist, dim)

# --- scband reference (transcript-rebuilt; emitter-appended) ---
"""Pipeline reference for scband-hilbert-embedding-31327491457113 (READ-ONLY COPY).

The authoritative reference and input builder live on the scoring server;
editing this copy changes nothing except your own understanding.
"""

import jax, jax.numpy as jnp
import numpy as np

ORDER = 1000
EMBED_DIM = 64
BATCH = 16384
HIST = 200


def _hilbert_embedding(order, embedding_dim):
    i = np.arange(order, dtype=np.float64)
    H = 1.0 / (i[:, None] + i[None, :] + 1.0)
    eigenvalues, eigenvectors = np.linalg.eigh(H)
    idx = np.argsort(eigenvalues)
    emb = eigenvectors[:, idx[:embedding_dim]]
    # F.normalize(emb, p=2, dim=1) with eps=1e-12
    norm = np.maximum(np.linalg.norm(emb, axis=1, keepdims=True), 1e-12)
    emb = emb / norm
    return jnp.asarray(emb, dtype=jnp.float32)


def setup_inputs(seed: int = 0) -> dict:
    key = jax.random.key(seed)
    x = jax.random.randint(key, (BATCH, HIST), 0, ORDER)
    table = _hilbert_embedding(ORDER, EMBED_DIM)
    return {"x": x, "table": table}


def reference(x, table):
    # nn.Embedding lookup: table[x]
    return jnp.take(table, x, axis=0)

if __name__ == "__main__":
    import jax
    _d = setup_inputs()
    print(jax.jit(kernel)(*tuple(_d.values())))

</pallas_src>

<mosaic_0001>
#map = affine_map<(d0, d1) -> (0)>
#map1 = affine_map<(d0, d1) -> (0, 0)>
module attributes {stable_mosaic.version = 14 : i64} {
  func.func @lookup(%arg0: i32, %arg1: i32, %arg2: memref<3276800xi32, #tpu.memory_space<hbm>>, %arg3: memref<1000x64xf32, #tpu.memory_space<hbm>>, %arg4: memref<3276800x64xf32, #tpu.memory_space<hbm>>, %arg5: memref<1000x64xf32, #tpu.memory_space<vmem_shared>>, %arg6: memref<2x640xi32, #tpu.memory_space<vmem>>, %arg7: memref<2x640x64xf32, #tpu.memory_space<vmem>>, %arg8: memref<!tpu.dma_semaphore, #tpu.memory_space<semaphore_mem>>, %arg9: memref<!tpu.dma_semaphore, #tpu.memory_space<semaphore_mem>>, %arg10: memref<!tpu.dma_semaphore, #tpu.memory_space<semaphore_mem>>, %arg11: memref<!tpu.dma_semaphore, #tpu.memory_space<semaphore_mem>>, %arg12: memref<!tpu.dma_semaphore, #tpu.memory_space<semaphore_mem>>, %arg13: memref<!tpu.dma_semaphore, #tpu.memory_space<semaphore_mem>>) attributes {dimension_semantics = [#tpu.dimension_semantics<core_parallel>, #tpu.dimension_semantics<subcore_parallel>], iteration_bounds = array<i64: 2, 16>, scalar_prefetch = 0 : i64, scratch_operands = 9 : i64, tpu.core_type = #tpu.core_type<sc_vector_subcore>, window_params = [{transform_indices = #map}, {transform_indices = #map1}, {transform_indices = #map1}]} {
    %mul3A = arith.constant 2 : i32
    %mul3A_0 = arith.muli %arg1, %mul3A : i32
    %add3A = arith.addi %mul3A_0, %arg0 : i32
    %mul3A_1 = arith.constant 102400 : i32
    %mul3A_2 = arith.muli %add3A, %mul3A_1 : i32
    %eq3A = arith.constant 0 : i32
    %eq3A_3 = arith.cmpi eq, %arg1, %eq3A : i32
    %convert_element_type3A = arith.extui %eq3A_3 : i1 to i32
    %cond3A = arith.constant 0 : i32
    %cond3A_4 = arith.cmpi ne, %convert_element_type3A, %cond3A : i32
    scf.if %cond3A_4 {
      "tpu.region"() ({
        %run_scoped3A = tpu.sem_alloc : memref<!tpu.dma_semaphore, #tpu.memory_space<semaphore_mem>>
        tpu.enqueue_dma source(%arg3 : memref<1000x64xf32, #tpu.memory_space<hbm>>) target(%arg5 : memref<1000x64xf32, #tpu.memory_space<vmem_shared>>) target_semaphore(%run_scoped3A : memref<!tpu.dma_semaphore, #tpu.memory_space<semaphore_mem>>)
        tpu.wait_dma2 semaphore(%run_scoped3A : memref<!tpu.dma_semaphore, #tpu.memory_space<semaphore_mem>>) src(%arg3 : memref<1000x64xf32, #tpu.memory_space<hbm>>) dst(%arg5 : memref<1000x64xf32, #tpu.memory_space<vmem_shared>>)
        tpu.yield
      }) : () -> ()
    } else {
    }
    %barrier3A = arith.constant 0 : index
    tpu.barrier barrier_id(%barrier3A)
    %add3A_5 = arith.constant 0 : i32
    %add3A_6 = arith.addi %mul3A_2, %add3A_5 : i32
    %dma_start3A = arith.constant 0 : i32
    %dma_start3A_7 = arith.constant 0 : i32
    %dma_start3A_8 = tpu.memref_slice %arg6[%dma_start3A, %dma_start3A_7] : memref<2x640xi32, #tpu.memory_space<vmem>> -> memref<1x640xi32, #tpu.memory_space<vmem>>
    %dma_start3A_9 = tpu.memref_squeeze %dma_start3A_8 : memref<1x640xi32, #tpu.memory_space<vmem>> -> memref<640xi32, #tpu.memory_space<vmem>>
    %dma_start3A_10 = tpu.memref_slice %arg2[%add3A_6] : memref<3276800xi32, #tpu.memory_space<hbm>> -> memref<640xi32, #tpu.memory_space<hbm>>
    %dma_start3A_11 = arith.constant 0 : i32
    %dma_start3A_12 = tpu.memref_slice %arg6[%dma_start3A, %dma_start3A_11] : memref<2x640xi32, #tpu.memory_space<vmem>> -> memref<1x640xi32, #tpu.memory_space<vmem>>
    %dma_start3A_13 = tpu.memref_squeeze %dma_start3A_12 : memref<1x640xi32, #tpu.memory_space<vmem>> -> memref<640xi32, #tpu.memory_space<vmem>>
    %dma_start3A_14 = tpu.memref_slice %arg2[%add3A_6] : memref<3276800xi32, #tpu.memory_space<hbm>> -> memref<640xi32, #tpu.memory_space<hbm>>
    tpu.enqueue_dma source(%dma_start3A_14 : memref<640xi32, #tpu.memory_space<hbm>>) target(%dma_start3A_13 : memref<640xi32, #tpu.memory_space<vmem>>) target_semaphore(%arg8 : memref<!tpu.dma_semaphore, #tpu.memory_space<semaphore_mem>>)
    %add3A_15 = arith.constant 640 : i32
    %add3A_16 = arith.addi %mul3A_2, %add3A_15 : i32
    %dma_start3A_17 = arith.constant 1 : i32
    %dma_start3A_18 = arith.constant 0 : i32
    %dma_start3A_19 = tpu.memref_slice %arg6[%dma_start3A_17, %dma_start3A_18] : memref<2x640xi32, #tpu.memory_space<vmem>> -> memref<1x640xi32, #tpu.memory_space<vmem>>
    %dma_start3A_20 = tpu.memref_squeeze %dma_start3A_19 : memref<1x640xi32, #tpu.memory_space<vmem>> -> memref<640xi32, #tpu.memory_space<vmem>>
    %dma_start3A_21 = tpu.memref_slice %arg2[%add3A_16] : memref<3276800xi32, #tpu.memory_space<hbm>> -> memref<640xi32, #tpu.memory_space<hbm>>
    %dma_start3A_22 = arith.constant 0 : i32
    %dma_start3A_23 = tpu.memref_slice %arg6[%dma_start3A_17, %dma_start3A_22] : memref<2x640xi32, #tpu.memory_space<vmem>> -> memref<1x640xi32, #tpu.memory_space<vmem>>
    %dma_start3A_24 = tpu.memref_squeeze %dma_start3A_23 : memref<1x640xi32, #tpu.memory_space<vmem>> -> memref<640xi32, #tpu.memory_space<vmem>>
    %dma_start3A_25 = tpu.memref_slice %arg2[%add3A_16] : memref<3276800xi32, #tpu.memory_space<hbm>> -> memref<640xi32, #tpu.memory_space<hbm>>
    tpu.enqueue_dma source(%dma_start3A_25 : memref<640xi32, #tpu.memory_space<hbm>>) target(%dma_start3A_24 : memref<640xi32, #tpu.memory_space<vmem>>) target_semaphore(%arg9 : memref<!tpu.dma_semaphore, #tpu.memory_space<semaphore_mem>>)
    %add3A_26 = arith.constant 0 : i32
    %add3A_27 = arith.addi %mul3A_2, %add3A_26 : i32
    %dma_wait3A = arith.constant 0 : i32
    %dma_wait3A_28 = arith.constant 0 : i32
    %dma_wait3A_29 = tpu.memref_slice %arg6[%dma_wait3A, %dma_wait3A_28] : memref<2x640xi32, #tpu.memory_space<vmem>> -> memref<1x640xi32, #tpu.memory_space<vmem>>
    %dma_wait3A_30 = tpu.memref_squeeze %dma_wait3A_29 : memref<1x640xi32, #tpu.memory_space<vmem>> -> memref<640xi32, #tpu.memory_space<vmem>>
    %dma_wait3A_31 = tpu.memref_slice %arg2[%add3A_27] : memref<3276800xi32, #tpu.memory_space<hbm>> -> memref<640xi32, #tpu.memory_space<hbm>>
    %dma_wait3A_32 = arith.constant 0 : i32
    %dma_wait3A_33 = tpu.memref_slice %arg6[%dma_wait3A, %dma_wait3A_32] : memref<2x640xi32, #tpu.memory_space<vmem>> -> memref<1x640xi32, #tpu.memory_space<vmem>>
    %dma_wait3A_34 = tpu.memref_squeeze %dma_wait3A_33 : memref<1x640xi32, #tpu.memory_space<vmem>> -> memref<640xi32, #tpu.memory_space<vmem>>
    %dma_wait3A_35 = tpu.memref_slice %arg2[%add3A_27] : memref<3276800xi32, #tpu.memory_space<hbm>> -> memref<640xi32, #tpu.memory_space<hbm>>
    tpu.wait_dma2 semaphore(%arg8 : memref<!tpu.dma_semaphore, #tpu.memory_space<semaphore_mem>>) src(%dma_wait3A_35 : memref<640xi32, #tpu.memory_space<hbm>>) dst(%dma_wait3A_34 : memref<640xi32, #tpu.memory_space<vmem>>)
    %dma_start3A_36 = arith.constant 0 : i32
    %dma_start3A_37 = arith.constant 0 : i32
    %dma_start3A_38 = arith.constant 0 : i32
    %dma_start3A_39 = arith.constant 0 : i32
    %dma_start3A_40 = tpu.memref_slice %arg7[%dma_start3A_37, %dma_start3A_38, %dma_start3A_39] : memref<2x640x64xf32, #tpu.memory_space<vmem>> -> memref<1x128x64xf32, #tpu.memory_space<vmem>>
    %dma_start3A_41 = tpu.memref_squeeze %dma_start3A_40 : memref<1x128x64xf32, #tpu.memory_space<vmem>> -> memref<128x64xf32, #tpu.memory_space<vmem>>
    %dma_start3A_42 = arith.constant 0 : i32
    %dma_start3A_43 = tpu.memref_slice %arg6[%dma_start3A_36, %dma_start3A_42] : memref<2x640xi32, #tpu.memory_space<vmem>> -> memref<1x128xi32, #tpu.memory_space<vmem>>
    %dma_start3A_44 = tpu.memref_squeeze %dma_start3A_43 : memref<1x128xi32, #tpu.memory_space<vmem>> -> memref<128xi32, #tpu.memory_space<vmem>>
    %dma_start3A_45 = arith.constant 0 : i32
    %dma_start3A_46 = arith.constant 0 : i32
    %dma_start3A_47 = tpu.memref_slice %arg5[%dma_start3A_45, %dma_start3A_46] : memref<1000x64xf32, #tpu.memory_space<vmem_shared>> -> memref<1000x64xf32, #tpu.memory_space<vmem_shared>>
    tpu.enqueue_indirect_dma source(%dma_start3A_47 : memref<1000x64xf32, #tpu.memory_space<vmem_shared>>) target(%dma_start3A_41 : memref<128x64xf32, #tpu.memory_space<vmem>>) offsets(%dma_start3A_44 : memref<128xi32, #tpu.memory_space<vmem>>) semaphore(%arg10 : memref<!tpu.dma_semaphore, #tpu.memory_space<semaphore_mem>>)
    %dma_start3A_48 = arith.constant 0 : i32
    %dma_start3A_49 = arith.constant 0 : i32
    %dma_start3A_50 = arith.constant 128 : i32
    %dma_start3A_51 = arith.constant 0 : i32
    %dma_start3A_52 = tpu.memref_slice %arg7[%dma_start3A_49, %dma_start3A_50, %dma_start3A_51] : memref<2x640x64xf32, #tpu.memory_space<vmem>> -> memref<1x128x64xf32, #tpu.memory_space<vmem>>
    %dma_start3A_53 = tpu.memref_squeeze %dma_start3A_52 : memref<1x128x64xf32, #tpu.memory_space<vmem>> -> memref<128x64xf32, #tpu.memory_space<vmem>>
    %dma_start3A_54 = arith.constant 128 : i32
    %dma_start3A_55 = tpu.memref_slice %arg6[%dma_start3A_48, %dma_start3A_54] : memref<2x640xi32, #tpu.memory_space<vmem>> -> memref<1x128xi32, #tpu.memory_space<vmem>>
    %dma_start3A_56 = tpu.memref_squeeze %dma_start3A_55 : memref<1x128xi32, #tpu.memory_space<vmem>> -> memref<128xi32, #tpu.memory_space<vmem>>
    %dma_start3A_57 = arith.constant 0 : i32
    %dma_start3A_58 = arith.constant 0 : i32
    %dma_start3A_59 = tpu.memref_slice %arg5[%dma_start3A_57, %dma_start3A_58] : memref<1000x64xf32, #tpu.memory_space<vmem_shared>> -> memref<1000x64xf32, #tpu.memory_space<vmem_shared>>
    tpu.enqueue_indirect_dma source(%dma_start3A_59 : memref<1000x64xf32, #tpu.memory_space<vmem_shared>>) target(%dma_start3A_53 : memref<128x64xf32, #tpu.memory_space<vmem>>) offsets(%dma_start3A_56 : memref<128xi32, #tpu.memory_space<vmem>>) semaphore(%arg10 : memref<!tpu.dma_semaphore, #tpu.memory_space<semaphore_mem>>)
    %dma_start3A_60 = arith.constant 0 : i32
    %dma_start3A_61 = arith.constant 0 : i32
    %dma_start3A_62 = arith.constant 256 : i32
    %dma_start3A_63 = arith.constant 0 : i32
    %dma_start3A_64 = tpu.memref_slice %arg7[%dma_start3A_61, %dma_start3A_62, %dma_start3A_63] : memref<2x640x64xf32, #tpu.memory_space<vmem>> -> memref<1x128x64xf32, #tpu.memory_space<vmem>>
    %dma_start3A_65 = tpu.memref_squeeze %dma_start3A_64 : memref<1x128x64xf32, #tpu.memory_space<vmem>> -> memref<128x64xf32, #tpu.memory_space<vmem>>
    %dma_start3A_66 = arith.constant 256 : i32
    %dma_start3A_67 = tpu.memref_slice %arg6[%dma_start3A_60, %dma_start3A_66] : memref<2x640xi32, #tpu.memory_space<vmem>> -> memref<1x128xi32, #tpu.memory_space<vmem>>
    %dma_start3A_68 = tpu.memref_squeeze %dma_start3A_67 : memref<1x128xi32, #tpu.memory_space<vmem>> -> memref<128xi32, #tpu.memory_space<vmem>>
    %dma_start3A_69 = arith.constant 0 : i32
    %dma_start3A_70 = arith.constant 0 : i32
    %dma_start3A_71 = tpu.memref_slice %arg5[%dma_start3A_69, %dma_start3A_70] : memref<1000x64xf32, #tpu.memory_space<vmem_shared>> -> memref<1000x64xf32, #tpu.memory_space<vmem_shared>>
    tpu.enqueue_indirect_dma source(%dma_start3A_71 : memref<1000x64xf32, #tpu.memory_space<vmem_shared>>) target(%dma_start3A_65 : memref<128x64xf32, #tpu.memory_space<vmem>>) offsets(%dma_start3A_68 : memref<128xi32, #tpu.memory_space<vmem>>) semaphore(%arg10 : memref<!tpu.dma_semaphore, #tpu.memory_space<semaphore_mem>>)
    %dma_start3A_72 = arith.constant 0 : i32
    %dma_start3A_73 = arith.constant 0 : i32
    %dma_start3A_74 = arith.constant 384 : i32
    %dma_start3A_75 = arith.constant 0 : i32
    %dma_start3A_76 = tpu.memref_slice %arg7[%dma_start3A_73, %dma_start3A_74, %dma_start3A_75] : memref<2x640x64xf32, #tpu.memory_space<vmem>> -> memref<1x128x64xf32, #tpu.memory_space<vmem>>
    %dma_start3A_77 = tpu.memref_squeeze %dma_start3A_76 : memref<1x128x64xf32, #tpu.memory_space<vmem>> -> memref<128x64xf32, #tpu.memory_space<vmem>>
    %dma_start3A_78 = arith.constant 384 : i32
    %dma_start3A_79 = tpu.memref_slice %arg6[%dma_start3A_72, %dma_start3A_78] : memref<2x640xi32, #tpu.memory_space<vmem>> -> memref<1x128xi32, #tpu.memory_space<vmem>>
    %dma_start3A_80 = tpu.memref_squeeze %dma_start3A_79 : memref<1x128xi32, #tpu.memory_space<vmem>> -> memref<128xi32, #tpu.memory_space<vmem>>
    %dma_start3A_81 = arith.constant 0 : i32
    %dma_start3A_82 = arith.constant 0 : i32
    %dma_start3A_83 = tpu.memref_slice %arg5[%dma_start3A_81, %dma_start3A_82] : memref<1000x64xf32, #tpu.memory_space<vmem_shared>> -> memref<1000x64xf32, #tpu.memory_space<vmem_shared>>
    tpu.enqueue_indirect_dma source(%dma_start3A_83 : memref<1000x64xf32, #tpu.memory_space<vmem_shared>>) target(%dma_start3A_77 : memref<128x64xf32, #tpu.memory_space<vmem>>) offsets(%dma_start3A_80 : memref<128xi32, #tpu.memory_space<vmem>>) semaphore(%arg10 : memref<!tpu.dma_semaphore, #tpu.memory_space<semaphore_mem>>)
    %dma_start3A_84 = arith.constant 0 : i32
    %dma_start3A_85 = arith.constant 0 : i32
    %dma_start3A_86 = arith.constant 512 : i32
    %dma_start3A_87 = arith.constant 0 : i32
    %dma_start3A_88 = tpu.memref_slice %arg7[%dma_start3A_85, %dma_start3A_86, %dma_start3A_87] : memref<2x640x64xf32, #tpu.memory_space<vmem>> -> memref<1x128x64xf32, #tpu.memory_space<vmem>>
    %dma_start3A_89 = tpu.memref_squeeze %dma_start3A_88 : memref<1x128x64xf32, #tpu.memory_space<vmem>> -> memref<128x64xf32, #tpu.memory_space<vmem>>
    %dma_start3A_90 = arith.constant 512 : i32
    %dma_start3A_91 = tpu.memref_slice %arg6[%dma_start3A_84, %dma_start3A_90] : memref<2x640xi32, #tpu.memory_space<vmem>> -> memref<1x128xi32, #tpu.memory_space<vmem>>
    %dma_start3A_92 = tpu.memref_squeeze %dma_start3A_91 : memref<1x128xi32, #tpu.memory_space<vmem>> -> memref<128xi32, #tpu.memory_space<vmem>>
    %dma_start3A_93 = arith.constant 0 : i32
    %dma_start3A_94 = arith.constant 0 : i32
    %dma_start3A_95 = tpu.memref_slice %arg5[%dma_start3A_93, %dma_start3A_94] : memref<1000x64xf32, #tpu.memory_space<vmem_shared>> -> memref<1000x64xf32, #tpu.memory_space<vmem_shared>>
    tpu.enqueue_indirect_dma source(%dma_start3A_95 : memref<1000x64xf32, #tpu.memory_space<vmem_shared>>) target(%dma_start3A_89 : memref<128x64xf32, #tpu.memory_space<vmem>>) offsets(%dma_start3A_92 : memref<128xi32, #tpu.memory_space<vmem>>) semaphore(%arg10 : memref<!tpu.dma_semaphore, #tpu.memory_space<semaphore_mem>>)
    %dma_wait3A_96 = arith.constant 0 : i32
    %dma_wait3A_97 = arith.constant 0 : i32
    %dma_wait3A_98 = arith.constant 0 : i32
    %dma_wait3A_99 = arith.constant 0 : i32
    %dma_wait3A_100 = tpu.memref_slice %arg7[%dma_wait3A_97, %dma_wait3A_98, %dma_wait3A_99] : memref<2x640x64xf32, #tpu.memory_space<vmem>> -> memref<1x128x64xf32, #tpu.memory_space<vmem>>
    %dma_wait3A_101 = tpu.memref_squeeze %dma_wait3A_100 : memref<1x128x64xf32, #tpu.memory_space<vmem>> -> memref<128x64xf32, #tpu.memory_space<vmem>>
    %dma_wait3A_102 = arith.constant 0 : i32
    %dma_wait3A_103 = tpu.memref_slice %arg6[%dma_wait3A_96, %dma_wait3A_102] : memref<2x640xi32, #tpu.memory_space<vmem>> -> memref<1x128xi32, #tpu.memory_space<vmem>>
    %dma_wait3A_104 = tpu.memref_squeeze %dma_wait3A_103 : memref<1x128xi32, #tpu.memory_space<vmem>> -> memref<128xi32, #tpu.memory_space<vmem>>
    %dma_wait3A_105 = arith.constant 0 : i32
    %dma_wait3A_106 = arith.constant 0 : i32
    %dma_wait3A_107 = tpu.memref_slice %arg5[%dma_wait3A_105, %dma_wait3A_106] : memref<1000x64xf32, #tpu.memory_space<vmem_shared>> -> memref<1000x64xf32, #tpu.memory_space<vmem_shared>>
    tpu.wait_indirect_dma semaphore(%arg10 : memref<!tpu.dma_semaphore, #tpu.memory_space<semaphore_mem>>) src(%dma_wait3A_107 : memref<1000x64xf32, #tpu.memory_space<vmem_shared>>) dst(%dma_wait3A_101 : memref<128x64xf32, #tpu.memory_space<vmem>>)
    %dma_wait3A_108 = arith.constant 0 : i32
    %dma_wait3A_109 = arith.constant 0 : i32
    %dma_wait3A_110 = arith.constant 128 : i32
    %dma_wait3A_111 = arith.constant 0 : i32
    %dma_wait3A_112 = tpu.memref_slice %arg7[%dma_wait3A_109, %dma_wait3A_110, %dma_wait3A_111] : memref<2x640x64xf32, #tpu.memory_space<vmem>> -> memref<1x128x64xf32, #tpu.memory_space<vmem>>
    %dma_wait3A_113 = tpu.memref_squeeze %dma_wait3A_112 : memref<1x128x64xf32, #tpu.memory_space<vmem>> -> memref<128x64xf32, #tpu.memory_space<vmem>>
    %dma_wait3A_114 = arith.constant 128 : i32
    %dma_wait3A_115 = tpu.memref_slice %arg6[%dma_wait3A_108, %dma_wait3A_114] : memref<2x640xi32, #tpu.memory_space<vmem>> -> memref<1x128xi32, #tpu.memory_space<vmem>>
    %dma_wait3A_116 = tpu.memref_squeeze %dma_wait3A_115 : memref<1x128xi32, #tpu.memory_space<vmem>> -> memref<128xi32, #tpu.memory_space<vmem>>
    %dma_wait3A_117 = arith.constant 0 : i32
    %dma_wait3A_118 = arith.constant 0 : i32
    %dma_wait3A_119 = tpu.memref_slice %arg5[%dma_wait3A_117, %dma_wait3A_118] : memref<1000x64xf32, #tpu.memory_space<vmem_shared>> -> memref<1000x64xf32, #tpu.memory_space<vmem_shared>>
    tpu.wait_indirect_dma semaphore(%arg10 : memref<!tpu.dma_semaphore, #tpu.memory_space<semaphore_mem>>) src(%dma_wait3A_119 : memref<1000x64xf32, #tpu.memory_space<vmem_shared>>) dst(%dma_wait3A_113 : memref<128x64xf32, #tpu.memory_space<vmem>>)
    %dma_wait3A_120 = arith.constant 0 : i32
    %dma_wait3A_121 = arith.constant 0 : i32
    %dma_wait3A_122 = arith.constant 256 : i32
    %dma_wait3A_123 = arith.constant 0 : i32
    %dma_wait3A_124 = tpu.memref_slice %arg7[%dma_wait3A_121, %dma_wait3A_122, %dma_wait3A_123] : memref<2x640x64xf32, #tpu.memory_space<vmem>> -> memref<1x128x64xf32, #tpu.memory_space<vmem>>
    %dma_wait3A_125 = tpu.memref_squeeze %dma_wait3A_124 : memref<1x128x64xf32, #tpu.memory_space<vmem>> -> memref<128x64xf32, #tpu.memory_space<vmem>>
    %dma_wait3A_126 = arith.constant 256 : i32
    %dma_wait3A_127 = tpu.memref_slice %arg6[%dma_wait3A_120, %dma_wait3A_126] : memref<2x640xi32, #tpu.memory_space<vmem>> -> memref<1x128xi32, #tpu.memory_space<vmem>>
    %dma_wait3A_128 = tpu.memref_squeeze %dma_wait3A_127 : memref<1x128xi32, #tpu.memory_space<vmem>> -> memref<128xi32, #tpu.memory_space<vmem>>
    %dma_wait3A_129 = arith.constant 0 : i32
    %dma_wait3A_130 = arith.constant 0 : i32
    %dma_wait3A_131 = tpu.memref_slice %arg5[%dma_wait3A_129, %dma_wait3A_130] : memref<1000x64xf32, #tpu.memory_space<vmem_shared>> -> memref<1000x64xf32, #tpu.memory_space<vmem_shared>>
    tpu.wait_indirect_dma semaphore(%arg10 : memref<!tpu.dma_semaphore, #tpu.memory_space<semaphore_mem>>) src(%dma_wait3A_131 : memref<1000x64xf32, #tpu.memory_space<vmem_shared>>) dst(%dma_wait3A_125 : memref<128x64xf32, #tpu.memory_space<vmem>>)
    %dma_wait3A_132 = arith.constant 0 : i32
    %dma_wait3A_133 = arith.constant 0 : i32
    %dma_wait3A_134 = arith.constant 384 : i32
    %dma_wait3A_135 = arith.constant 0 : i32
    %dma_wait3A_136 = tpu.memref_slice %arg7[%dma_wait3A_133, %dma_wait3A_134, %dma_wait3A_135] : memref<2x640x64xf32, #tpu.memory_space<vmem>> -> memref<1x128x64xf32, #tpu.memory_space<vmem>>
    %dma_wait3A_137 = tpu.memref_squeeze %dma_wait3A_136 : memref<1x128x64xf32, #tpu.memory_space<vmem>> -> memref<128x64xf32, #tpu.memory_space<vmem>>
    %dma_wait3A_138 = arith.constant 384 : i32
    %dma_wait3A_139 = tpu.memref_slice %arg6[%dma_wait3A_132, %dma_wait3A_138] : memref<2x640xi32, #tpu.memory_space<vmem>> -> memref<1x128xi32, #tpu.memory_space<vmem>>
    %dma_wait3A_140 = tpu.memref_squeeze %dma_wait3A_139 : memref<1x128xi32, #tpu.memory_space<vmem>> -> memref<128xi32, #tpu.memory_space<vmem>>
    %dma_wait3A_141 = arith.constant 0 : i32
    %dma_wait3A_142 = arith.constant 0 : i32
    %dma_wait3A_143 = tpu.memref_slice %arg5[%dma_wait3A_141, %dma_wait3A_142] : memref<1000x64xf32, #tpu.memory_space<vmem_shared>> -> memref<1000x64xf32, #tpu.memory_space<vmem_shared>>
    tpu.wait_indirect_dma semaphore(%arg10 : memref<!tpu.dma_semaphore, #tpu.memory_space<semaphore_mem>>) src(%dma_wait3A_143 : memref<1000x64xf32, #tpu.memory_space<vmem_shared>>) dst(%dma_wait3A_137 : memref<128x64xf32, #tpu.memory_space<vmem>>)
    %dma_wait3A_144 = arith.constant 0 : i32
    %dma_wait3A_145 = arith.constant 0 : i32
    %dma_wait3A_146 = arith.constant 512 : i32
    %dma_wait3A_147 = arith.constant 0 : i32
    %dma_wait3A_148 = tpu.memref_slice %arg7[%dma_wait3A_145, %dma_wait3A_146, %dma_wait3A_147] : memref<2x640x64xf32, #tpu.memory_space<vmem>> -> memref<1x128x64xf32, #tpu.memory_space<vmem>>
    %dma_wait3A_149 = tpu.memref_squeeze %dma_wait3A_148 : memref<1x128x64xf32, #tpu.memory_space<vmem>> -> memref<128x64xf32, #tpu.memory_space<vmem>>
    %dma_wait3A_150 = arith.constant 512 : i32
    %dma_wait3A_151 = tpu.memref_slice %arg6[%dma_wait3A_144, %dma_wait3A_150] : memref<2x640xi32, #tpu.memory_space<vmem>> -> memref<1x128xi32, #tpu.memory_space<vmem>>
    %dma_wait3A_152 = tpu.memref_squeeze %dma_wait3A_151 : memref<1x128xi32, #tpu.memory_space<vmem>> -> memref<128xi32, #tpu.memory_space<vmem>>
    %dma_wait3A_153 = arith.constant 0 : i32
    %dma_wait3A_154 = arith.constant 0 : i32
    %dma_wait3A_155 = tpu.memref_slice %arg5[%dma_wait3A_153, %dma_wait3A_154] : memref<1000x64xf32, #tpu.memory_space<vmem_shared>> -> memref<1000x64xf32, #tpu.memory_space<vmem_shared>>
    tpu.wait_indirect_dma semaphore(%arg10 : memref<!tpu.dma_semaphore, #tpu.memory_space<semaphore_mem>>) src(%dma_wait3A_155 : memref<1000x64xf32, #tpu.memory_space<vmem_shared>>) dst(%dma_wait3A_149 : memref<128x64xf32, #tpu.memory_space<vmem>>)
    %add3A_156 = arith.constant 1280 : i32
    %add3A_157 = arith.addi %mul3A_2, %add3A_156 : i32
    %dma_start3A_158 = arith.constant 0 : i32
    %dma_start3A_159 = arith.constant 0 : i32
    %dma_start3A_160 = tpu.memref_slice %arg6[%dma_start3A_158, %dma_start3A_159] : memref<2x640xi32, #tpu.memory_space<vmem>> -> memref<1x640xi32, #tpu.memory_space<vmem>>
    %dma_start3A_161 = tpu.memref_squeeze %dma_start3A_160 : memref<1x640xi32, #tpu.memory_space<vmem>> -> memref<640xi32, #tpu.memory_space<vmem>>
    %dma_start3A_162 = tpu.memref_slice %arg2[%add3A_157] : memref<3276800xi32, #tpu.memory_space<hbm>> -> memref<640xi32, #tpu.memory_space<hbm>>
    %dma_start3A_163 = arith.constant 0 : i32
    %dma_start3A_164 = tpu.memref_slice %arg6[%dma_start3A_158, %dma_start3A_163] : memref<2x640xi32, #tpu.memory_space<vmem>> -> memref<1x640xi32, #tpu.memory_space<vmem>>
    %dma_start3A_165 = tpu.memref_squeeze %dma_start3A_164 : memref<1x640xi32, #tpu.memory_space<vmem>> -> memref<640xi32, #tpu.memory_space<vmem>>
    %dma_start3A_166 = tpu.memref_slice %arg2[%add3A_157] : memref<3276800xi32, #tpu.memory_space<hbm>> -> memref<640xi32, #tpu.memory_space<hbm>>
    tpu.enqueue_dma source(%dma_start3A_166 : memref<640xi32, #tpu.memory_space<hbm>>) target(%dma_start3A_165 : memref<640xi32, #tpu.memory_space<vmem>>) target_semaphore(%arg8 : memref<!tpu.dma_semaphore, #tpu.memory_space<semaphore_mem>>)
    %add3A_167 = arith.constant 0 : i32
    %add3A_168 = arith.addi %mul3A_2, %add3A_167 : i32
    %dma_start3A_169 = arith.constant 0 : i32
    %dma_start3A_170 = arith.constant 0 : i32
    %dma_start3A_171 = arith.constant 0 : i32
    %dma_start3A_172 = tpu.memref_slice %arg7[%dma_start3A_169, %dma_start3A_170, %dma_start3A_171] : memref<2x640x64xf32, #tpu.memory_space<vmem>> -> memref<1x640x64xf32, #tpu.memory_space<vmem>>
    %dma_start3A_173 = tpu.memref_squeeze %dma_start3A_172 : memref<1x640x64xf32, #tpu.memory_space<vmem>> -> memref<640x64xf32, #tpu.memory_space<vmem>>
    %dma_start3A_174 = arith.constant 0 : i32
    %dma_start3A_175 = tpu.memref_slice %arg4[%add3A_168, %dma_start3A_174] : memref<3276800x64xf32, #tpu.memory_space<hbm>> -> memref<640x64xf32, #tpu.memory_space<hbm>>
    %dma_start3A_176 = arith.constant 0 : i32
    %dma_start3A_177 = tpu.memref_slice %arg4[%add3A_168, %dma_start3A_176] : memref<3276800x64xf32, #tpu.memory_space<hbm>> -> memref<640x64xf32, #tpu.memory_space<hbm>>
    %dma_start3A_178 = arith.constant 0 : i32
    %dma_start3A_179 = arith.constant 0 : i32
    %dma_start3A_180 = tpu.memref_slice %arg7[%dma_start3A_169, %dma_start3A_178, %dma_start3A_179] : memref<2x640x64xf32, #tpu.memory_space<vmem>> -> memref<1x640x64xf32, #tpu.memory_space<vmem>>
    %dma_start3A_181 = tpu.memref_squeeze %dma_start3A_180 : memref<1x640x64xf32, #tpu.memory_space<vmem>> -> memref<640x64xf32, #tpu.memory_space<vmem>>
    tpu.enqueue_dma source(%dma_start3A_181 : memref<640x64xf32, #tpu.memory_space<vmem>>) target(%dma_start3A_177 : memref<640x64xf32, #tpu.memory_space<hbm>>) target_semaphore(%arg12 : memref<!tpu.dma_semaphore, #tpu.memory_space<semaphore_mem>>)
    %add3A_182 = arith.constant 640 : i32
    %add3A_183 = arith.addi %mul3A_2, %add3A_182 : i32
    %dma_wait3A_184 = arith.constant 1 : i32
    %dma_wait3A_185 = arith.constant 0 : i32
    %dma_wait3A_186 = tpu.memref_slice %arg6[%dma_wait3A_184, %dma_wait3A_185] : memref<2x640xi32, #tpu.memory_space<vmem>> -> memref<1x640xi32, #tpu.memory_space<vmem>>
    %dma_wait3A_187 = tpu.memref_squeeze %dma_wait3A_186 : memref<1x640xi32, #tpu.memory_space<vmem>> -> memref<640xi32, #tpu.memory_space<vmem>>
    %dma_wait3A_188 = tpu.memref_slice %arg2[%add3A_183] : memref<3276800xi32, #tpu.memory_space<hbm>> -> memref<640xi32, #tpu.memory_space<hbm>>
    %dma_wait3A_189 = arith.constant 0 : i32
    %dma_wait3A_190 = tpu.memref_slice %arg6[%dma_wait3A_184, %dma_wait3A_189] : memref<2x640xi32, #tpu.memory_space<vmem>> -> memref<1x640xi32, #tpu.memory_space<vmem>>
    %dma_wait3A_191 = tpu.memref_squeeze %dma_wait3A_190 : memref<1x640xi32, #tpu.memory_space<vmem>> -> memref<640xi32, #tpu.memory_space<vmem>>
    %dma_wait3A_192 = tpu.memref_slice %arg2[%add3A_183] : memref<3276800xi32, #tpu.memory_space<hbm>> -> memref<640xi32, #tpu.memory_space<hbm>>
    tpu.wait_dma2 semaphore(%arg9 : memref<!tpu.dma_semaphore, #tpu.memory_space<semaphore_mem>>) src(%dma_wait3A_192 : memref<640xi32, #tpu.memory_space<hbm>>) dst(%dma_wait3A_191 : memref<640xi32, #tpu.memory_space<vmem>>)
    %dma_start3A_193 = arith.constant 1 : i32
    %dma_start3A_194 = arith.constant 1 : i32
    %dma_start3A_195 = arith.constant 0 : i32
    %dma_start3A_196 = arith.constant 0 : i32
    %dma_start3A_197 = tpu.memref_slice %arg7[%dma_start3A_194, %dma_start3A_195, %dma_start3A_196] : memref<2x640x64xf32, #tpu.memory_space<vmem>> -> memref<1x128x64xf32, #tpu.memory_space<vmem>>
    %dma_start3A_198 = tpu.memref_squeeze %dma_start3A_197 : memref<1x128x64xf32, #tpu.memory_space<vmem>> -> memref<128x64xf32, #tpu.memory_space<vmem>>
    %dma_start3A_199 = arith.constant 0 : i32
    %dma_start3A_200 = tpu.memref_slice %arg6[%dma_start3A_193, %dma_start3A_199] : memref<2x640xi32, #tpu.memory_space<vmem>> -> memref<1x128xi32, #tpu.memory_space<vmem>>
    %dma_start3A_201 = tpu.memref_squeeze %dma_start3A_200 : memref<1x128xi32, #tpu.memory_space<vmem>> -> memref<128xi32, #tpu.memory_space<vmem>>
    %dma_start3A_202 = arith.constant 0 : i32
    %dma_start3A_203 = arith.constant 0 : i32
    %dma_start3A_204 = tpu.memref_slice %arg5[%dma_start3A_202, %dma_start3A_203] : memref<1000x64xf32, #tpu.memory_space<vmem_shared>> -> memref<1000x64xf32, #tpu.memory_space<vmem_shared>>
    tpu.enqueue_indirect_dma source(%dma_start3A_204 : memref<1000x64xf32, #tpu.memory_space<vmem_shared>>) target(%dma_start3A_198 : memref<128x64xf32, #tpu.memory_space<vmem>>) offsets(%dma_start3A_201 : memref<128xi32, #tpu.memory_space<vmem>>) semaphore(%arg11 : memref<!tpu.dma_semaphore, #tpu.memory_space<semaphore_mem>>)
    %dma_start3A_205 = arith.constant 1 : i32
    %dma_start3A_206 = arith.constant 1 : i32
    %dma_start3A_207 = arith.constant 128 : i32
    %dma_start3A_208 = arith.constant 0 : i32
    %dma_start3A_209 = tpu.memref_slice %arg7[%dma_start3A_206, %dma_start3A_207, %dma_start3A_208] : memref<2x640x64xf32, #tpu.memory_space<vmem>> -> memref<1x128x64xf32, #tpu.memory_space<vmem>>
    %dma_start3A_210 = tpu.memref_squeeze %dma_start3A_209 : memref<1x128x64xf32, #tpu.memory_space<vmem>> -> memref<128x64xf32, #tpu.memory_space<vmem>>
    %dma_start3A_211 = arith.constant 128 : i32
    %dma_start3A_212 = tpu.memref_slice %arg6[%dma_start3A_205, %dma_start3A_211] : memref<2x640xi32, #tpu.memory_space<vmem>> -> memref<1x128xi32, #tpu.memory_space<vmem>>
    %dma_start3A_213 = tpu.memref_squeeze %dma_start3A_212 : memref<1x128xi32, #tpu.memory_space<vmem>> -> memref<128xi32, #tpu.memory_space<vmem>>
    %dma_start3A_214 = arith.constant 0 : i32
    %dma_start3A_215 = arith.constant 0 : i32
    %dma_start3A_216 = tpu.memref_slice %arg5[%dma_start3A_214, %dma_start3A_215] : memref<1000x64xf32, #tpu.memory_space<vmem_shared>> -> memref<1000x64xf32, #tpu.memory_space<vmem_shared>>
    tpu.enqueue_indirect_dma source(%dma_start3A_216 : memref<1000x64xf32, #tpu.memory_space<vmem_shared>>) target(%dma_start3A_210 : memref<128x64xf32, #tpu.memory_space<vmem>>) offsets(%dma_start3A_213 : memref<128xi32, #tpu.memory_space<vmem>>) semaphore(%arg11 : memref<!tpu.dma_semaphore, #tpu.memory_space<semaphore_mem>>)
    %dma_start3A_217 = arith.constant 1 : i32
    %dma_start3A_218 = arith.constant 1 : i32
    %dma_start3A_219 = arith.constant 256 : i32
    %dma_start3A_220 = arith.constant 0 : i32
    %dma_start3A_221 = tpu.memref_slice %arg7[%dma_start3A_218, %dma_start3A_219, %dma_start3A_220] : memref<2x640x64xf32, #tpu.memory_space<vmem>> -> memref<1x128x64xf32, #tpu.memory_space<vmem>>
    %dma_start3A_222 = tpu.memref_squeeze %dma_start3A_221 : memref<1x128x64xf32, #tpu.memory_space<vmem>> -> memref<128x64xf32, #tpu.memory_space<vmem>>
    %dma_start3A_223 = arith.constant 256 : i32
    %dma_start3A_224 = tpu.memref_slice %arg6[%dma_start3A_217, %dma_start3A_223] : memref<2x640xi32, #tpu.memory_space<vmem>> -> memref<1x128xi32, #tpu.memory_space<vmem>>
    %dma_start3A_225 = tpu.memref_squeeze %dma_start3A_224 : memref<1x128xi32, #tpu.memory_space<vmem>> -> memref<128xi32, #tpu.memory_space<vmem>>
    %dma_start3A_226 = arith.constant 0 : i32
    %dma_start3A_227 = arith.constant 0 : i32
    %dma_start3A_228 = tpu.memref_slice %arg5[%dma_start3A_226, %dma_start3A_227] : memref<1000x64xf32, #tpu.memory_space<vmem_shared>> -> memref<1000x64xf32, #tpu.memory_space<vmem_shared>>
    tpu.enqueue_indirect_dma source(%dma_start3A_228 : memref<1000x64xf32, #tpu.memory_space<vmem_shared>>) target(%dma_start3A_222 : memref<128x64xf32, #tpu.memory_space<vmem>>) offsets(%dma_start3A_225 : memref<128xi32, #tpu.memory_space<vmem>>) semaphore(%arg11 : memref<!tpu.dma_semaphore, #tpu.memory_space<semaphore_mem>>)
    %dma_start3A_229 = arith.constant 1 : i32
    %dma_start3A_230 = arith.constant 1 : i32
    %dma_start3A_231 = arith.constant 384 : i32
    %dma_start3A_232 = arith.constant 0 : i32
    %dma_start3A_233 = tpu.memref_slice %arg7[%dma_start3A_230, %dma_start3A_231, %dma_start3A_232] : memref<2x640x64xf32, #tpu.memory_space<vmem>> -> memref<1x128x64xf32, #tpu.memory_space<vmem>>
    %dma_start3A_234 = tpu.memref_squeeze %dma_start3A_233 : memref<1x128x64xf32, #tpu.memory_space<vmem>> -> memref<128x64xf32, #tpu.memory_space<vmem>>
    %dma_start3A_235 = arith.constant 384 : i32
    %dma_start3A_236 = tpu.memref_slice %arg6[%dma_start3A_229, %dma_start3A_235] : memref<2x640xi32, #tpu.memory_space<vmem>> -> memref<1x128xi32, #tpu.memory_space<vmem>>
    %dma_start3A_237 = tpu.memref_squeeze %dma_start3A_236 : memref<1x128xi32, #tpu.memory_space<vmem>> -> memref<128xi32, #tpu.memory_space<vmem>>
    %dma_start3A_238 = arith.constant 0 : i32
    %dma_start3A_239 = arith.constant 0 : i32
    %dma_start3A_240 = tpu.memref_slice %arg5[%dma_start3A_238, %dma_start3A_239] : memref<1000x64xf32, #tpu.memory_space<vmem_shared>> -> memref<1000x64xf32, #tpu.memory_space<vmem_shared>>
    tpu.enqueue_indirect_dma source(%dma_start3A_240 : memref<1000x64xf32, #tpu.memory_space<vmem_shared>>) target(%dma_start3A_234 : memref<128x64xf32, #tpu.memory_space<vmem>>) offsets(%dma_start3A_237 : memref<128xi32, #tpu.memory_space<vmem>>) semaphore(%arg11 : memref<!tpu.dma_semaphore, #tpu.memory_space<semaphore_mem>>)
    %dma_start3A_241 = arith.constant 1 : i32
    %dma_start3A_242 = arith.constant 1 : i32
    %dma_start3A_243 = arith.constant 512 : i32
    %dma_start3A_244 = arith.constant 0 : i32
    %dma_start3A_245 = tpu.memref_slice %arg7[%dma_start3A_242, %dma_start3A_243, %dma_start3A_244] : memref<2x640x64xf32, #tpu.memory_space<vmem>> -> memref<1x128x64xf32, #tpu.memory_space<vmem>>
    %dma_start3A_246 = tpu.memref_squeeze %dma_start3A_245 : memref<1x128x64xf32, #tpu.memory_space<vmem>> -> memref<128x64xf32, #tpu.memory_space<vmem>>
    %dma_start3A_247 = arith.constant 512 : i32
    %dma_start3A_248 = tpu.memref_slice %arg6[%dma_start3A_241, %dma_start3A_247] : memref<2x640xi32, #tpu.memory_space<vmem>> -> memref<1x128xi32, #tpu.memory_space<vmem>>
    %dma_start3A_249 = tpu.memref_squeeze %dma_start3A_248 : memref<1x128xi32, #tpu.memory_space<vmem>> -> memref<128xi32, #tpu.memory_space<vmem>>
    %dma_start3A_250 = arith.constant 0 : i32
    %dma_start3A_251 = arith.constant 0 : i32
    %dma_start3A_252 = tpu.memref_slice %arg5[%dma_start3A_250, %dma_start3A_251] : memref<1000x64xf32, #tpu.memory_space<vmem_shared>> -> memref<1000x64xf32, #tpu.memory_space<vmem_shared>>
    tpu.enqueue_indirect_dma source(%dma_start3A_252 : memref<1000x64xf32, #tpu.memory_space<vmem_shared>>) target(%dma_start3A_246 : memref<128x64xf32, #tpu.memory_space<vmem>>) offsets(%dma_start3A_249 : memref<128xi32, #tpu.memory_space<vmem>>) semaphore(%arg11 : memref<!tpu.dma_semaphore, #tpu.memory_space<semaphore_mem>>)
    %dma_wait3A_253 = arith.constant 1 : i32
    %dma_wait3A_254 = arith.constant 1 : i32
    %dma_wait3A_255 = arith.constant 0 : i32
    %dma_wait3A_256 = arith.constant 0 : i32
    %dma_wait3A_257 = tpu.memref_slice %arg7[%dma_wait3A_254, %dma_wait3A_255, %dma_wait3A_256] : memref<2x640x64xf32, #tpu.memory_space<vmem>> -> memref<1x128x64xf32, #tpu.memory_space<vmem>>
    %dma_wait3A_258 = tpu.memref_squeeze %dma_wait3A_257 : memref<1x128x64xf32, #tpu.memory_space<vmem>> -> memref<128x64xf32, #tpu.memory_space<vmem>>
    %dma_wait3A_259 = arith.constant 0 : i32
    %dma_wait3A_260 = tpu.memref_slice %arg6[%dma_wait3A_253, %dma_wait3A_259] : memref<2x640xi32, #tpu.memory_space<vmem>> -> memref<1x128xi32, #tpu.memory_space<vmem>>
    %dma_wait3A_261 = tpu.memref_squeeze %dma_wait3A_260 : memref<1x128xi32, #tpu.memory_space<vmem>> -> memref<128xi32, #tpu.memory_space<vmem>>
    %dma_wait3A_262 = arith.constant 0 : i32
    %dma_wait3A_263 = arith.constant 0 : i32
    %dma_wait3A_264 = tpu.memref_slice %arg5[%dma_wait3A_262, %dma_wait3A_263] : memref<1000x64xf32, #tpu.memory_space<vmem_shared>> -> memref<1000x64xf32, #tpu.memory_space<vmem_shared>>
    tpu.wait_indirect_dma semaphore(%arg11 : memref<!tpu.dma_semaphore, #tpu.memory_space<semaphore_mem>>) src(%dma_wait3A_264 : memref<1000x64xf32, #tpu.memory_space<vmem_shared>>) dst(%dma_wait3A_258 : memref<128x64xf32, #tpu.memory_space<vmem>>)
    %dma_wait3A_265 = arith.constant 1 : i32
    %dma_wait3A_266 = arith.constant 1 : i32
    %dma_wait3A_267 = arith.constant 128 : i32
    %dma_wait3A_268 = arith.constant 0 : i32
    %dma_wait3A_269 = tpu.memref_slice %arg7[%dma_wait3A_266, %dma_wait3A_267, %dma_wait3A_268] : memref<2x640x64xf32, #tpu.memory_space<vmem>> -> memref<1x128x64xf32, #tpu.memory_space<vmem>>
    %dma_wait3A_270 = tpu.memref_squeeze %dma_wait3A_269 : memref<1x128x64xf32, #tpu.memory_space<vmem>> -> memref<128x64xf32, #tpu.memory_space<vmem>>
    %dma_wait3A_271 = arith.constant 128 : i32
    %dma_wait3A_272 = tpu.memref_slice %arg6[%dma_wait3A_265, %dma_wait3A_271] : memref<2x640xi32, #tpu.memory_space<vmem>> -> memref<1x128xi32, #tpu.memory_space<vmem>>
    %dma_wait3A_273 = tpu.memref_squeeze %dma_wait3A_272 : memref<1x128xi32, #tpu.memory_space<vmem>> -> memref<128xi32, #tpu.memory_space<vmem>>
    %dma_wait3A_274 = arith.constant 0 : i32
    %dma_wait3A_275 = arith.constant 0 : i32
    %dma_wait3A_276 = tpu.memref_slice %arg5[%dma_wait3A_274, %dma_wait3A_275] : memref<1000x64xf32, #tpu.memory_space<vmem_shared>> -> memref<1000x64xf32, #tpu.memory_space<vmem_shared>>
    tpu.wait_indirect_dma semaphore(%arg11 : memref<!tpu.dma_semaphore, #tpu.memory_space<semaphore_mem>>) src(%dma_wait3A_276 : memref<1000x64xf32, #tpu.memory_space<vmem_shared>>) dst(%dma_wait3A_270 : memref<128x64xf32, #tpu.memory_space<vmem>>)
    %dma_wait3A_277 = arith.constant 1 : i32
    %dma_wait3A_278 = arith.constant 1 : i32
    %dma_wait3A_279 = arith.constant 256 : i32
    %dma_wait3A_280 = arith.constant 0 : i32
    %dma_wait3A_281 = tpu.memref_slice %arg7[%dma_wait3A_278, %dma_wait3A_279, %dma_wait3A_280] : memref<2x640x64xf32, #tpu.memory_space<vmem>> -> memref<1x128x64xf32, #tpu.memory_space<vmem>>
    %dma_wait3A_282 = tpu.memref_squeeze %dma_wait3A_281 : memref<1x128x64xf32, #tpu.memory_space<vmem>> -> memref<128x64xf32, #tpu.memory_space<vmem>>
    %dma_wait3A_283 = arith.constant 256 : i32
    %dma_wait3A_284 = tpu.memref_slice %arg6[%dma_wait3A_277, %dma_wait3A_283] : memref<2x640xi32, #tpu.memory_space<vmem>> -> memref<1x128xi32, #tpu.memory_space<vmem>>
    %dma_wait3A_285 = tpu.memref_squeeze %dma_wait3A_284 : memref<1x128xi32, #tpu.memory_space<vmem>> -> memref<128xi32, #tpu.memory_space<vmem>>
    %dma_wait3A_286 = arith.constant 0 : i32
    %dma_wait3A_287 = arith.constant 0 : i32
    %dma_wait3A_288 = tpu.memref_slice %arg5[%dma_wait3A_286, %dma_wait3A_287] : memref<1000x64xf32, #tpu.memory_space<vmem_shared>> -> memref<1000x64xf32, #tpu.memory_space<vmem_shared>>
    tpu.wait_indirect_dma semaphore(%arg11 : memref<!tpu.dma_semaphore, #tpu.memory_space<semaphore_mem>>) src(%dma_wait3A_288 : memref<1000x64xf32, #tpu.memory_space<vmem_shared>>) dst(%dma_wait3A_282 : memref<128x64xf32, #tpu.memory_space<vmem>>)
    %dma_wait3A_289 = arith.constant 1 : i32
    %dma_wait3A_290 = arith.constant 1 : i32
    %dma_wait3A_291 = arith.constant 384 : i32
    %dma_wait3A_292 = arith.constant 0 : i32
    %dma_wait3A_293 = tpu.memref_slice %arg7[%dma_wait3A_290, %dma_wait3A_291, %dma_wait3A_292] : memref<2x640x64xf32, #tpu.memory_space<vmem>> -> memref<1x128x64xf32, #tpu.memory_space<vmem>>
    %dma_wait3A_294 = tpu.memref_squeeze %dma_wait3A_293 : memref<1x128x64xf32, #tpu.memory_space<vmem>> -> memref<128x64xf32, #tpu.memory_space<vmem>>
    %dma_wait3A_295 = arith.constant 384 : i32
    %dma_wait3A_296 = tpu.memref_slice %arg6[%dma_wait3A_289, %dma_wait3A_295] : memref<2x640xi32, #tpu.memory_space<vmem>> -> memref<1x128xi32, #tpu.memory_space<vmem>>
    %dma_wait3A_297 = tpu.memref_squeeze %dma_wait3A_296 : memref<1x128xi32, #tpu.memory_space<vmem>> -> memref<128xi32, #tpu.memory_space<vmem>>
    %dma_wait3A_298 = arith.constant 0 : i32
    %dma_wait3A_299 = arith.constant 0 : i32
    %dma_wait3A_300 = tpu.memref_slice %arg5[%dma_wait3A_298, %dma_wait3A_299] : memref<1000x64xf32, #tpu.memory_space<vmem_shared>> -> memref<1000x64xf32, #tpu.memory_space<vmem_shared>>
    tpu.wait_indirect_dma semaphore(%arg11 : memref<!tpu.dma_semaphore, #tpu.memory_space<semaphore_mem>>) src(%dma_wait3A_300 : memref<1000x64xf32, #tpu.memory_space<vmem_shared>>) dst(%dma_wait3A_294 : memref<128x64xf32, #tpu.memory_space<vmem>>)
    %dma_wait3A_301 = arith.constant 1 : i32
    %dma_wait3A_302 = arith.constant 1 : i32
    %dma_wait3A_303 = arith.constant 512 : i32
    %dma_wait3A_304 = arith.constant 0 : i32
    %dma_wait3A_305 = tpu.memref_slice %arg7[%dma_wait3A_302, %dma_wait3A_303, %dma_wait3A_304] : memref<2x640x64xf32, #tpu.memory_space<vmem>> -> memref<1x128x64xf32, #tpu.memory_space<vmem>>
    %dma_wait3A_306 = tpu.memref_squeeze %dma_wait3A_305 : memref<1x128x64xf32, #tpu.memory_space<vmem>> -> memref<128x64xf32, #tpu.memory_space<vmem>>
    %dma_wait3A_307 = arith.constant 512 : i32
    %dma_wait3A_308 = tpu.memref_slice %arg6[%dma_wait3A_301, %dma_wait3A_307] : memref<2x640xi32, #tpu.memory_space<vmem>> -> memref<1x128xi32, #tpu.memory_space<vmem>>
    %dma_wait3A_309 = tpu.memref_squeeze %dma_wait3A_308 : memref<1x128xi32, #tpu.memory_space<vmem>> -> memref<128xi32, #tpu.memory_space<vmem>>
    %dma_wait3A_310 = arith.constant 0 : i32
    %dma_wait3A_311 = arith.constant 0 : i32
    %dma_wait3A_312 = tpu.memref_slice %arg5[%dma_wait3A_310, %dma_wait3A_311] : memref<1000x64xf32, #tpu.memory_space<vmem_shared>> -> memref<1000x64xf32, #tpu.memory_space<vmem_shared>>
    tpu.wait_indirect_dma semaphore(%arg11 : memref<!tpu.dma_semaphore, #tpu.memory_space<semaphore_mem>>) src(%dma_wait3A_312 : memref<1000x64xf32, #tpu.memory_space<vmem_shared>>) dst(%dma_wait3A_306 : memref<128x64xf32, #tpu.memory_space<vmem>>)
    %add3A_313 = arith.constant 1920 : i32
    %add3A_314 = arith.addi %mul3A_2, %add3A_313 : i32
    %dma_start3A_315 = arith.constant 1 : i32
    %dma_start3A_316 = arith.constant 0 : i32
    %dma_start3A_317 = tpu.memref_slice %arg6[%dma_start3A_315, %dma_start3A_316] : memref<2x640xi32, #tpu.memory_space<vmem>> -> memref<1x640xi32, #tpu.memory_space<vmem>>
    %dma_start3A_318 = tpu.memref_squeeze %dma_start3A_317 : memref<1x640xi32, #tpu.memory_space<vmem>> -> memref<640xi32, #tpu.memory_space<vmem>>
    %dma_start3A_319 = tpu.memref_slice %arg2[%add3A_314] : memref<3276800xi32, #tpu.memory_space<hbm>> -> memref<640xi32, #tpu.memory_space<hbm>>
    %dma_start3A_320 = arith.constant 0 : i32
    %dma_start3A_321 = tpu.memref_slice %arg6[%dma_start3A_315, %dma_start3A_320] : memref<2x640xi32, #tpu.memory_space<vmem>> -> memref<1x640xi32, #tpu.memory_space<vmem>>
    %dma_start3A_322 = tpu.memref_squeeze %dma_start3A_321 : memref<1x640xi32, #tpu.memory_space<vmem>> -> memref<640xi32, #tpu.memory_space<vmem>>
    %dma_start3A_323 = tpu.memref_slice %arg2[%add3A_314] : memref<3276800xi32, #tpu.memory_space<hbm>> -> memref<640xi32, #tpu.memory_space<hbm>>
    tpu.enqueue_dma source(%dma_start3A_323 : memref<640xi32, #tpu.memory_space<hbm>>) target(%dma_start3A_322 : memref<640xi32, #tpu.memory_space<vmem>>) target_semaphore(%arg9 : memref<!tpu.dma_semaphore, #tpu.memory_space<semaphore_mem>>)
    %add3A_324 = arith.constant 640 : i32
    %add3A_325 = arith.addi %mul3A_2, %add3A_324 : i32
    %dma_start3A_326 = arith.constant 1 : i32
    %dma_start3A_327 = arith.constant 0 : i32
    %dma_start3A_328 = arith.constant 0 : i32
    %dma_start3A_329 = tpu.memref_slice %arg7[%dma_start3A_326, %dma_start3A_327, %dma_start3A_328] : memref<2x640x64xf32, #tpu.memory_space<vmem>> -> memref<1x640x64xf32, #tpu.memory_space<vmem>>
    %dma_start3A_330 = tpu.memref_squeeze %dma_start3A_329 : memref<1x640x64xf32, #tpu.memory_space<vmem>> -> memref<640x64xf32, #tpu.memory_space<vmem>>
    %dma_start3A_331 = arith.constant 0 : i32
    %dma_start3A_332 = tpu.memref_slice %arg4[%add3A_325, %dma_start3A_331] : memref<3276800x64xf32, #tpu.memory_space<hbm>> -> memref<640x64xf32, #tpu.memory_space<hbm>>
    %dma_start3A_333 = arith.constant 0 : i32
    %dma_start3A_334 = tpu.memref_slice %arg4[%add3A_325, %dma_start3A_333] : memref<3276800x64xf32, #tpu.memory_space<hbm>> -> memref<640x64xf32, #tpu.memory_space<hbm>>
    %dma_start3A_335 = arith.constant 0 : i32
    %dma_start3A_336 = arith.constant 0 : i32
    %dma_start3A_337 = tpu.memref_slice %arg7[%dma_start3A_326, %dma_start3A_335, %dma_start3A_336] : memref<2x640x64xf32, #tpu.memory_space<vmem>> -> memref<1x640x64xf32, #tpu.memory_space<vmem>>
    %dma_start3A_338 = tpu.memref_squeeze %dma_start3A_337 : memref<1x640x64xf32, #tpu.memory_space<vmem>> -> memref<640x64xf32, #tpu.memory_space<vmem>>
    tpu.enqueue_dma source(%dma_start3A_338 : memref<640x64xf32, #tpu.memory_space<vmem>>) target(%dma_start3A_334 : memref<640x64xf32, #tpu.memory_space<hbm>>) target_semaphore(%arg13 : memref<!tpu.dma_semaphore, #tpu.memory_space<semaphore_mem>>)
    %scan3A = arith.constant 0 : i32
    %scan3A_339 = arith.constant 1 : i32
    %scan3A_340 = arith.constant 78 : i32
    %scan3A_341 = arith.addi %scan3A_339, %scan3A_340 : i32
    %scan3A_342 = arith.constant 1 : i32
    scf.for %scan3A_696 = %scan3A_339 to %scan3A_341 step %scan3A_342  : i32 {
      %mul3A_697 = arith.constant 2 : i32
      %mul3A_698 = arith.muli %mul3A_697, %scan3A_696 : i32
      %add3A_699 = arith.constant 0 : i32
      %add3A_700 = arith.addi %mul3A_698, %add3A_699 : i32
      %mul3A_701 = arith.constant 640 : i32
      %mul3A_702 = arith.muli %add3A_700, %mul3A_701 : i32
      %add3A_703 = arith.addi %mul3A_2, %mul3A_702 : i32
      %dma_wait3A_704 = arith.constant 0 : i32
      %dma_wait3A_705 = arith.constant 0 : i32
      %dma_wait3A_706 = tpu.memref_slice %arg6[%dma_wait3A_704, %dma_wait3A_705] : memref<2x640xi32, #tpu.memory_space<vmem>> -> memref<1x640xi32, #tpu.memory_space<vmem>>
      %dma_wait3A_707 = tpu.memref_squeeze %dma_wait3A_706 : memref<1x640xi32, #tpu.memory_space<vmem>> -> memref<640xi32, #tpu.memory_space<vmem>>
      %dma_wait3A_708 = tpu.memref_slice %arg2[%add3A_703] : memref<3276800xi32, #tpu.memory_space<hbm>> -> memref<640xi32, #tpu.memory_space<hbm>>
      %dma_wait3A_709 = arith.constant 0 : i32
      %dma_wait3A_710 = tpu.memref_slice %arg6[%dma_wait3A_704, %dma_wait3A_709] : memref<2x640xi32, #tpu.memory_space<vmem>> -> memref<1x640xi32, #tpu.memory_space<vmem>>
      %dma_wait3A_711 = tpu.memref_squeeze %dma_wait3A_710 : memref<1x640xi32, #tpu.memory_space<vmem>> -> memref<640xi32, #tpu.memory_space<vmem>>
      %dma_wait3A_712 = tpu.memref_slice %arg2[%add3A_703] : memref<3276800xi32, #tpu.memory_space<hbm>> -> memref<640xi32, #tpu.memory_space<hbm>>
      tpu.wait_dma2 semaphore(%arg8 : memref<!tpu.dma_semaphore, #tpu.memory_space<semaphore_mem>>) src(%dma_wait3A_712 : memref<640xi32, #tpu.memory_space<hbm>>) dst(%dma_wait3A_711 : memref<640xi32, #tpu.memory_space<vmem>>)
      %sub3A = arith.constant 2 : i32
      %sub3A_713 = arith.subi %add3A_700, %sub3A : i32
      %mul3A_714 = arith.constant 640 : i32
      %mul3A_715 = arith.muli %sub3A_713, %mul3A_714 : i32
      %add3A_716 = arith.addi %mul3A_2, %mul3A_715 : i32
      %dma_wait3A_717 = arith.constant 0 : i32
      %dma_wait3A_718 = arith.constant 0 : i32
      %dma_wait3A_719 = arith.constant 0 : i32
      %dma_wait3A_720 = tpu.memref_slice %arg7[%dma_wait3A_717, %dma_wait3A_718, %dma_wait3A_719] : memref<2x640x64xf32, #tpu.memory_space<vmem>> -> memref<1x640x64xf32, #tpu.memory_space<vmem>>
      %dma_wait3A_721 = tpu.memref_squeeze %dma_wait3A_720 : memref<1x640x64xf32, #tpu.memory_space<vmem>> -> memref<640x64xf32, #tpu.memory_space<vmem>>
      %dma_wait3A_722 = arith.constant 0 : i32
      %dma_wait3A_723 = tpu.memref_slice %arg4[%add3A_716, %dma_wait3A_722] : memref<3276800x64xf32, #tpu.memory_space<hbm>> -> memref<640x64xf32, #tpu.memory_space<hbm>>
      %dma_wait3A_724 = arith.constant 0 : i32
      %dma_wait3A_725 = tpu.memref_slice %arg4[%add3A_716, %dma_wait3A_724] : memref<3276800x64xf32, #tpu.memory_space<hbm>> -> memref<640x64xf32, #tpu.memory_space<hbm>>
      %dma_wait3A_726 = arith.constant 0 : i32
      %dma_wait3A_727 = arith.constant 0 : i32
      %dma_wait3A_728 = tpu.memref_slice %arg7[%dma_wait3A_717, %dma_wait3A_726, %dma_wait3A_727] : memref<2x640x64xf32, #tpu.memory_space<vmem>> -> memref<1x640x64xf32, #tpu.memory_space<vmem>>
      %dma_wait3A_729 = tpu.memref_squeeze %dma_wait3A_728 : memref<1x640x64xf32, #tpu.memory_space<vmem>> -> memref<640x64xf32, #tpu.memory_space<vmem>>
      tpu.wait_dma2 semaphore(%arg12 : memref<!tpu.dma_semaphore, #tpu.memory_space<semaphore_mem>>) src(%dma_wait3A_729 : memref<640x64xf32, #tpu.memory_space<vmem>>) dst(%dma_wait3A_725 : memref<640x64xf32, #tpu.memory_space<hbm>>)
      %dma_start3A_730 = arith.constant 0 : i32
      %dma_start3A_731 = arith.constant 0 : i32
      %dma_start3A_732 = arith.constant 0 : i32
      %dma_start3A_733 = arith.constant 0 : i32
      %dma_start3A_734 = tpu.memref_slice %arg7[%dma_start3A_731, %dma_start3A_732, %dma_start3A_733] : memref<2x640x64xf32, #tpu.memory_space<vmem>> -> memref<1x128x64xf32, #tpu.memory_space<vmem>>
      %dma_start3A_735 = tpu.memref_squeeze %dma_start3A_734 : memref<1x128x64xf32, #tpu.memory_space<vmem>> -> memref<128x64xf32, #tpu.memory_space<vmem>>
      %dma_start3A_736 = arith.constant 0 : i32
      %dma_start3A_737 = tpu.memref_slice %arg6[%dma_start3A_730, %dma_start3A_736] : memref<2x640xi32, #tpu.memory_space<vmem>> -> memref<1x128xi32, #tpu.memory_space<vmem>>
      %dma_start3A_738 = tpu.memref_squeeze %dma_start3A_737 : memref<1x128xi32, #tpu.memory_space<vmem>> -> memref<128xi32, #tpu.memory_space<vmem>>
      %dma_start3A_739 = arith.constant 0 : i32
      %dma_start3A_740 = arith.constant 0 : i32
      %dma_start3A_741 = tpu.memref_slice %arg5[%dma_start3A_739, %dma_start3A_740] : memref<1000x64xf32, #tpu.memory_space<vmem_shared>> -> memref<1000x64xf32, #tpu.memory_space<vmem_shared>>
      tpu.enqueue_indirect_dma source(%dma_start3A_741 : memref<1000x64xf32, #tpu.memory_space<vmem_shared>>) target(%dma_start3A_735 : memref<128x64xf32, #tpu.memory_space<vmem>>) offsets(%dma_start3A_738 : memref<128xi32, #tpu.memory_space<vmem>>) semaphore(%arg10 : memref<!tpu.dma_semaphore, #tpu.memory_space<semaphore_mem>>)
      %dma_start3A_742 = arith.constant 0 : i32
      %dma_start3A_743 = arith.constant 0 : i32
      %dma_start3A_744 = arith.constant 128 : i32
      %dma_start3A_745 = arith.constant 0 : i32
      %dma_start3A_746 = tpu.memref_slice %arg7[%dma_start3A_743, %dma_start3A_744, %dma_start3A_745] : memref<2x640x64xf32, #tpu.memory_space<vmem>> -> memref<1x128x64xf32, #tpu.memory_space<vmem>>
      %dma_start3A_747 = tpu.memref_squeeze %dma_start3A_746 : memref<1x128x64xf32, #tpu.memory_space<vmem>> -> memref<128x64xf32, #tpu.memory_space<vmem>>
      %dma_start3A_748 = arith.constant 128 : i32
      %dma_start3A_749 = tpu.memref_slice %arg6[%dma_start3A_742, %dma_start3A_748] : memref<2x640xi32, #tpu.memory_space<vmem>> -> memref<1x128xi32, #tpu.memory_space<vmem>>
      %dma_start3A_750 = tpu.memref_squeeze %dma_start3A_749 : memref<1x128xi32, #tpu.memory_space<vmem>> -> memref<128xi32, #tpu.memory_space<vmem>>
      %dma_start3A_751 = arith.constant 0 : i32
      %dma_start3A_752 = arith.constant 0 : i32
      %dma_start3A_753 = tpu.memref_slice %arg5[%dma_start3A_751, %dma_start3A_752] : memref<1000x64xf32, #tpu.memory_space<vmem_shared>> -> memref<1000x64xf32, #tpu.memory_space<vmem_shared>>
      tpu.enqueue_indirect_dma source(%dma_start3A_753 : memref<1000x64xf32, #tpu.memory_space<vmem_shared>>) target(%dma_start3A_747 : memref<128x64xf32, #tpu.memory_space<vmem>>) offsets(%dma_start3A_750 : memref<128xi32, #tpu.memory_space<vmem>>) semaphore(%arg10 : memref<!tpu.dma_semaphore, #tpu.memory_space<semaphore_mem>>)
      %dma_start3A_754 = arith.constant 0 : i32
      %dma_start3A_755 = arith.constant 0 : i32
      %dma_start3A_756 = arith.constant 256 : i32
      %dma_start3A_757 = arith.constant 0 : i32
      %dma_start3A_758 = tpu.memref_slice %arg7[%dma_start3A_755, %dma_start3A_756, %dma_start3A_757] : memref<2x640x64xf32, #tpu.memory_space<vmem>> -> memref<1x128x64xf32, #tpu.memory_space<vmem>>
      %dma_start3A_759 = tpu.memref_squeeze %dma_start3A_758 : memref<1x128x64xf32, #tpu.memory_space<vmem>> -> memref<128x64xf32, #tpu.memory_space<vmem>>
      %dma_start3A_760 = arith.constant 256 : i32
      %dma_start3A_761 = tpu.memref_slice %arg6[%dma_start3A_754, %dma_start3A_760] : memref<2x640xi32, #tpu.memory_space<vmem>> -> memref<1x128xi32, #tpu.memory_space<vmem>>
      %dma_start3A_762 = tpu.memref_squeeze %dma_start3A_761 : memref<1x128xi32, #tpu.memory_space<vmem>> -> memref<128xi32, #tpu.memory_space<vmem>>
      %dma_start3A_763 = arith.constant 0 : i32
      %dma_start3A_764 = arith.constant 0 : i32
      %dma_start3A_765 = tpu.memref_slice %arg5[%dma_start3A_763, %dma_start3A_764] : memref<1000x64xf32, #tpu.memory_space<vmem_shared>> -> memref<1000x64xf32, #tpu.memory_space<vmem_shared>>
      tpu.enqueue_indirect_dma source(%dma_start3A_765 : memref<1000x64xf32, #tpu.memory_space<vmem_shared>>) target(%dma_start3A_759 : memref<128x64xf32, #tpu.memory_space<vmem>>) offsets(%dma_start3A_762 : memref<128xi32, #tpu.memory_space<vmem>>) semaphore(%arg10 : memref<!tpu.dma_semaphore, #tpu.memory_space<semaphore_mem>>)
      %dma_start3A_766 = arith.constant 0 : i32
      %dma_start3A_767 = arith.constant 0 : i32
      %dma_start3A_768 = arith.constant 384 : i32
      %dma_start3A_769 = arith.constant 0 : i32
      %dma_start3A_770 = tpu.memref_slice %arg7[%dma_start3A_767, %dma_start3A_768, %dma_start3A_769] : memref<2x640x64xf32, #tpu.memory_space<vmem>> -> memref<1x128x64xf32, #tpu.memory_space<vmem>>
      %dma_start3A_771 = tpu.memref_squeeze %dma_start3A_770 : memref<1x128x64xf32, #tpu.memory_space<vmem>> -> memref<128x64xf32, #tpu.memory_space<vmem>>
      %dma_start3A_772 = arith.constant 384 : i32
      %dma_start3A_773 = tpu.memref_slice %arg6[%dma_start3A_766, %dma_start3A_772] : memref<2x640xi32, #tpu.memory_space<vmem>> -> memref<1x128xi32, #tpu.memory_space<vmem>>
      %dma_start3A_774 = tpu.memref_squeeze %dma_start3A_773 : memref<1x128xi32, #tpu.memory_space<vmem>> -> memref<128xi32, #tpu.memory_space<vmem>>
      %dma_start3A_775 = arith.constant 0 : i32
      %dma_start3A_776 = arith.constant 0 : i32
      %dma_start3A_777 = tpu.memref_slice %arg5[%dma_start3A_775, %dma_start3A_776] : memref<1000x64xf32, #tpu.memory_space<vmem_shared>> -> memref<1000x64xf32, #tpu.memory_space<vmem_shared>>
      tpu.enqueue_indirect_dma source(%dma_start3A_777 : memref<1000x64xf32, #tpu.memory_space<vmem_shared>>) target(%dma_start3A_771 : memref<128x64xf32, #tpu.memory_space<vmem>>) offsets(%dma_start3A_774 : memref<128xi32, #tpu.memory_space<vmem>>) semaphore(%arg10 : memref<!tpu.dma_semaphore, #tpu.memory_space<semaphore_mem>>)
      %dma_start3A_778 = arith.constant 0 : i32
      %dma_start3A_779 = arith.constant 0 : i32
      %dma_start3A_780 = arith.constant 512 : i32
      %dma_start3A_781 = arith.constant 0 : i32
      %dma_start3A_782 = tpu.memref_slice %arg7[%dma_start3A_779, %dma_start3A_780, %dma_start3A_781] : memref<2x640x64xf32, #tpu.memory_space<vmem>> -> memref<1x128x64xf32, #tpu.memory_space<vmem>>
      %dma_start3A_783 = tpu.memref_squeeze %dma_start3A_782 : memref<1x128x64xf32, #tpu.memory_space<vmem>> -> memref<128x64xf32, #tpu.memory_space<vmem>>
      %dma_start3A_784 = arith.constant 512 : i32
      %dma_start3A_785 = tpu.memref_slice %arg6[%dma_start3A_778, %dma_start3A_784] : memref<2x640xi32, #tpu.memory_space<vmem>> -> memref<1x128xi32, #tpu.memory_space<vmem>>
      %dma_start3A_786 = tpu.memref_squeeze %dma_start3A_785 : memref<1x128xi32, #tpu.memory_space<vmem>> -> memref<128xi32, #tpu.memory_space<vmem>>
      %dma_start3A_787 = arith.constant 0 : i32
      %dma_start3A_788 = arith.constant 0 : i32
      %dma_start3A_789 = tpu.memref_slice %arg5[%dma_start3A_787, %dma_start3A_788] : memref<1000x64xf32, #tpu.memory_space<vmem_shared>> -> memref<1000x64xf32, #tpu.memory_space<vmem_shared>>
      tpu.enqueue_indirect_dma source(%dma_start3A_789 : memref<1000x64xf32, #tpu.memory_space<vmem_shared>>) target(%dma_start3A_783 : memref<128x64xf32, #tpu.memory_space<vmem>>) offsets(%dma_start3A_786 : memref<128xi32, #tpu.memory_space<vmem>>) semaphore(%arg10 : memref<!tpu.dma_semaphore, #tpu.memory_space<semaphore_mem>>)
      %dma_wait3A_790 = arith.constant 0 : i32
      %dma_wait3A_791 = arith.constant 0 : i32
      %dma_wait3A_792 = arith.constant 0 : i32
      %dma_wait3A_793 = arith.constant 0 : i32
      %dma_wait3A_794 = tpu.memref_slice %arg7[%dma_wait3A_791, %dma_wait3A_792, %dma_wait3A_793] : memref<2x640x64xf32, #tpu.memory_space<vmem>> -> memref<1x128x64xf32, #tpu.memory_space<vmem>>
      %dma_wait3A_795 = tpu.memref_squeeze %dma_wait3A_794 : memref<1x128x64xf32, #tpu.memory_space<vmem>> -> memref<128x64xf32, #tpu.memory_space<vmem>>
      %dma_wait3A_796 = arith.constant 0 : i32
      %dma_wait3A_797 = tpu.memref_slice %arg6[%dma_wait3A_790, %dma_wait3A_796] : memref<2x640xi32, #tpu.memory_space<vmem>> -> memref<1x128xi32, #tpu.memory_space<vmem>>
      %dma_wait3A_798 = tpu.memref_squeeze %dma_wait3A_797 : memref<1x128xi32, #tpu.memory_space<vmem>> -> memref<128xi32, #tpu.memory_space<vmem>>
      %dma_wait3A_799 = arith.constant 0 : i32
      %dma_wait3A_800 = arith.constant 0 : i32
      %dma_wait3A_801 = tpu.memref_slice %arg5[%dma_wait3A_799, %dma_wait3A_800] : memref<1000x64xf32, #tpu.memory_space<vmem_shared>> -> memref<1000x64xf32, #tpu.memory_space<vmem_shared>>
      tpu.wait_indirect_dma semaphore(%arg10 : memref<!tpu.dma_semaphore, #tpu.memory_space<semaphore_mem>>) src(%dma_wait3A_801 : memref<1000x64xf32, #tpu.memory_space<vmem_shared>>) dst(%dma_wait3A_795 : memref<128x64xf32, #tpu.memory_space<vmem>>)
      %dma_wait3A_802 = arith.constant 0 : i32
      %dma_wait3A_803 = arith.constant 0 : i32
      %dma_wait3A_804 = arith.constant 128 : i32
      %dma_wait3A_805 = arith.constant 0 : i32
      %dma_wait3A_806 = tpu.memref_slice %arg7[%dma_wait3A_803, %dma_wait3A_804, %dma_wait3A_805] : memref<2x640x64xf32, #tpu.memory_space<vmem>> -> memref<1x128x64xf32, #tpu.memory_space<vmem>>
      %dma_wait3A_807 = tpu.memref_squeeze %dma_wait3A_806 : memref<1x128x64xf32, #tpu.memory_space<vmem>> -> memref<128x64xf32, #tpu.memory_space<vmem>>
      %dma_wait3A_808 = arith.constant 128 : i32
      %dma_wait3A_809 = tpu.memref_slice %arg6[%dma_wait3A_802, %dma_wait3A_808] : memref<2x640xi32, #tpu.memory_space<vmem>> -> memref<1x128xi32, #tpu.memory_space<vmem>>
      %dma_wait3A_810 = tpu.memref_squeeze %dma_wait3A_809 : memref<1x128xi32, #tpu.memory_space<vmem>> -> memref<128xi32, #tpu.memory_space<vmem>>
      %dma_wait3A_811 = arith.constant 0 : i32
      %dma_wait3A_812 = arith.constant 0 : i32
      %dma_wait3A_813 = tpu.memref_slice %arg5[%dma_wait3A_811, %dma_wait3A_812] : memref<1000x64xf32, #tpu.memory_space<vmem_shared>> -> memref<1000x64xf32, #tpu.memory_space<vmem_shared>>
      tpu.wait_indirect_dma semaphore(%arg10 : memref<!tpu.dma_semaphore, #tpu.memory_space<semaphore_mem>>) src(%dma_wait3A_813 : memref<1000x64xf32, #tpu.memory_space<vmem_shared>>) dst(%dma_wait3A_807 : memref<128x64xf32, #tpu.memory_space<vmem>>)
      %dma_wait3A_814 = arith.constant 0 : i32
      %dma_wait3A_815 = arith.constant 0 : i32
      %dma_wait3A_816 = arith.constant 256 : i32
      %dma_wait3A_817 = arith.constant 0 : i32
      %dma_wait3A_818 = tpu.memref_slice %arg7[%dma_wait3A_815, %dma_wait3A_816, %dma_wait3A_817] : memref<2x640x64xf32, #tpu.memory_space<vmem>> -> memref<1x128x64xf32, #tpu.memory_space<vmem>>
      %dma_wait3A_819 = tpu.memref_squeeze %dma_wait3A_818 : memref<1x128x64xf32, #tpu.memory_space<vmem>> -> memref<128x64xf32, #tpu.memory_space<vmem>>
      %dma_wait3A_820 = arith.constant 256 : i32
      %dma_wait3A_821 = tpu.memref_slice %arg6[%dma_wait3A_814, %dma_wait3A_820] : memref<2x640xi32, #tpu.memory_space<vmem>> -> memref<1x128xi32, #tpu.memory_space<vmem>>
      %dma_wait3A_822 = tpu.memref_squeeze %dma_wait3A_821 : memref<1x128xi32, #tpu.memory_space<vmem>> -> memref<128xi32, #tpu.memory_space<vmem>>
      %dma_wait3A_823 = arith.constant 0 : i32
      %dma_wait3A_824 = arith.constant 0 : i32
      %dma_wait3A_825 = tpu.memref_slice %arg5[%dma_wait3A_823, %dma_wait3A_824] : memref<1000x64xf32, #tpu.memory_space<vmem_shared>> -> memref<1000x64xf32, #tpu.memory_space<vmem_shared>>
      tpu.wait_indirect_dma semaphore(%arg10 : memref<!tpu.dma_semaphore, #tpu.memory_space<semaphore_mem>>) src(%dma_wait3A_825 : memref<1000x64xf32, #tpu.memory_space<vmem_shared>>) dst(%dma_wait3A_819 : memref<128x64xf32, #tpu.memory_space<vmem>>)
      %dma_wait3A_826 = arith.constant 0 : i32
      %dma_wait3A_827 = arith.constant 0 : i32
      %dma_wait3A_828 = arith.constant 384 : i32
      %dma_wait3A_829 = arith.constant 0 : i32
      %dma_wait3A_830 = tpu.memref_slice %arg7[%dma_wait3A_827, %dma_wait3A_828, %dma_wait3A_829] : memref<2x640x64xf32, #tpu.memory_space<vmem>> -> memref<1x128x64xf32, #tpu.memory_space<vmem>>
      %dma_wait3A_831 = tpu.memref_squeeze %dma_wait3A_830 : memref<1x128x64xf32, #tpu.memory_space<vmem>> -> memref<128x64xf32, #tpu.memory_space<vmem>>
      %dma_wait3A_832 = arith.constant 384 : i32
      %dma_wait3A_833 = tpu.memref_slice %arg6[%dma_wait3A_826, %dma_wait3A_832] : memref<2x640xi32, #tpu.memory_space<vmem>> -> memref<1x128xi32, #tpu.memory_space<vmem>>
      %dma_wait3A_834 = tpu.memref_squeeze %dma_wait3A_833 : memref<1x128xi32, #tpu.memory_space<vmem>> -> memref<128xi32, #tpu.memory_space<vmem>>
      %dma_wait3A_835 = arith.constant 0 : i32
      %dma_wait3A_836 = arith.constant 0 : i32
      %dma_wait3A_837 = tpu.memref_slice %arg5[%dma_wait3A_835, %dma_wait3A_836] : memref<1000x64xf32, #tpu.memory_space<vmem_shared>> -> memref<1000x64xf32, #tpu.memory_space<vmem_shared>>
      tpu.wait_indirect_dma semaphore(%arg10 : memref<!tpu.dma_semaphore, #tpu.memory_space<semaphore_mem>>) src(%dma_wait3A_837 : memref<1000x64xf32, #tpu.memory_space<vmem_shared>>) dst(%dma_wait3A_831 : memref<128x64xf32, #tpu.memory_space<vmem>>)
      %dma_wait3A_838 = arith.constant 0 : i32
      %dma_wait3A_839 = arith.constant 0 : i32
      %dma_wait3A_840 = arith.constant 512 : i32
      %dma_wait3A_841 = arith.constant 0 : i32
      %dma_wait3A_842 = tpu.memref_slice %arg7[%dma_wait3A_839, %dma_wait3A_840, %dma_wait3A_841] : memref<2x640x64xf32, #tpu.memory_space<vmem>> -> memref<1x128x64xf32, #tpu.memory_space<vmem>>
      %dma_wait3A_843 = tpu.memref_squeeze %dma_wait3A_842 : memref<1x128x64xf32, #tpu.memory_space<vmem>> -> memref<128x64xf32, #tpu.memory_space<vmem>>
      %dma_wait3A_844 = arith.constant 512 : i32
      %dma_wait3A_845 = tpu.memref_slice %arg6[%dma_wait3A_838, %dma_wait3A_844] : memref<2x640xi32, #tpu.memory_space<vmem>> -> memref<1x128xi32, #tpu.memory_space<vmem>>
      %dma_wait3A_846 = tpu.memref_squeeze %dma_wait3A_845 : memref<1x128xi32, #tpu.memory_space<vmem>> -> memref<128xi32, #tpu.memory_space<vmem>>
      %dma_wait3A_847 = arith.constant 0 : i32
      %dma_wait3A_848 = arith.constant 0 : i32
      %dma_wait3A_849 = tpu.memref_slice %arg5[%dma_wait3A_847, %dma_wait3A_848] : memref<1000x64xf32, #tpu.memory_space<vmem_shared>> -> memref<1000x64xf32, #tpu.memory_space<vmem_shared>>
      tpu.wait_indirect_dma semaphore(%arg10 : memref<!tpu.dma_semaphore, #tpu.memory_space<semaphore_mem>>) src(%dma_wait3A_849 : memref<1000x64xf32, #tpu.memory_space<vmem_shared>>) dst(%dma_wait3A_843 : memref<128x64xf32, #tpu.memory_space<vmem>>)
      %add3A_850 = arith.constant 2 : i32
      %add3A_851 = arith.addi %add3A_700, %add3A_850 : i32
      %mul3A_852 = arith.constant 640 : i32
      %mul3A_853 = arith.muli %add3A_851, %mul3A_852 : i32
      %add3A_854 = arith.addi %mul3A_2, %mul3A_853 : i32
      %dma_start3A_855 = arith.constant 0 : i32
      %dma_start3A_856 = arith.constant 0 : i32
      %dma_start3A_857 = tpu.memref_slice %arg6[%dma_start3A_855, %dma_start3A_856] : memref<2x640xi32, #tpu.memory_space<vmem>> -> memref<1x640xi32, #tpu.memory_space<vmem>>
      %dma_start3A_858 = tpu.memref_squeeze %dma_start3A_857 : memref<1x640xi32, #tpu.memory_space<vmem>> -> memref<640xi32, #tpu.memory_space<vmem>>
      %dma_start3A_859 = tpu.memref_slice %arg2[%add3A_854] : memref<3276800xi32, #tpu.memory_space<hbm>> -> memref<640xi32, #tpu.memory_space<hbm>>
      %dma_start3A_860 = arith.constant 0 : i32
      %dma_start3A_861 = tpu.memref_slice %arg6[%dma_start3A_855, %dma_start3A_860] : memref<2x640xi32, #tpu.memory_space<vmem>> -> memref<1x640xi32, #tpu.memory_space<vmem>>
      %dma_start3A_862 = tpu.memref_squeeze %dma_start3A_861 : memref<1x640xi32, #tpu.memory_space<vmem>> -> memref<640xi32, #tpu.memory_space<vmem>>
      %dma_start3A_863 = tpu.memref_slice %arg2[%add3A_854] : memref<3276800xi32, #tpu.memory_space<hbm>> -> memref<640xi32, #tpu.memory_space<hbm>>
      tpu.enqueue_dma source(%dma_start3A_863 : memref<640xi32, #tpu.memory_space<hbm>>) target(%dma_start3A_862 : memref<640xi32, #tpu.memory_space<vmem>>) target_semaphore(%arg8 : memref<!tpu.dma_semaphore, #tpu.memory_space<semaphore_mem>>)
      %mul3A_864 = arith.constant 640 : i32
      %mul3A_865 = arith.muli %add3A_700, %mul3A_864 : i32
      %add3A_866 = arith.addi %mul3A_2, %mul3A_865 : i32
      %dma_start3A_867 = arith.constant 0 : i32
      %dma_start3A_868 = arith.constant 0 : i32
      %dma_start3A_869 = arith.constant 0 : i32
      %dma_start3A_870 = tpu.memref_slice %arg7[%dma_start3A_867, %dma_start3A_868, %dma_start3A_869] : memref<2x640x64xf32, #tpu.memory_space<vmem>> -> memref<1x640x64xf32, #tpu.memory_space<vmem>>
      %dma_start3A_871 = tpu.memref_squeeze %dma_start3A_870 : memref<1x640x64xf32, #tpu.memory_space<vmem>> -> memref<640x64xf32, #tpu.memory_space<vmem>>
      %dma_start3A_872 = arith.constant 0 : i32
      %dma_start3A_873 = tpu.memref_slice %arg4[%add3A_866, %dma_start3A_872] : memref<3276800x64xf32, #tpu.memory_space<hbm>> -> memref<640x64xf32, #tpu.memory_space<hbm>>
      %dma_start3A_874 = arith.constant 0 : i32
      %dma_start3A_875 = tpu.memref_slice %arg4[%add3A_866, %dma_start3A_874] : memref<3276800x64xf32, #tpu.memory_space<hbm>> -> memref<640x64xf32, #tpu.memory_space<hbm>>
      %dma_start3A_876 = arith.constant 0 : i32
      %dma_start3A_877 = arith.constant 0 : i32
      %dma_start3A_878 = tpu.memref_slice %arg7[%dma_start3A_867, %dma_start3A_876, %dma_start3A_877] : memref<2x640x64xf32, #tpu.memory_space<vmem>> -> memref<1x640x64xf32, #tpu.memory_space<vmem>>
      %dma_start3A_879 = tpu.memref_squeeze %dma_start3A_878 : memref<1x640x64xf32, #tpu.memory_space<vmem>> -> memref<640x64xf32, #tpu.memory_space<vmem>>
      tpu.enqueue_dma source(%dma_start3A_879 : memref<640x64xf32, #tpu.memory_space<vmem>>) target(%dma_start3A_875 : memref<640x64xf32, #tpu.memory_space<hbm>>) target_semaphore(%arg12 : memref<!tpu.dma_semaphore, #tpu.memory_space<semaphore_mem>>)
      %add3A_880 = arith.constant 1 : i32
      %add3A_881 = arith.addi %mul3A_698, %add3A_880 : i32
      %mul3A_882 = arith.constant 640 : i32
      %mul3A_883 = arith.muli %add3A_881, %mul3A_882 : i32
      %add3A_884 = arith.addi %mul3A_2, %mul3A_883 : i32
      %dma_wait3A_885 = arith.constant 1 : i32
      %dma_wait3A_886 = arith.constant 0 : i32
      %dma_wait3A_887 = tpu.memref_slice %arg6[%dma_wait3A_885, %dma_wait3A_886] : memref<2x640xi32, #tpu.memory_space<vmem>> -> memref<1x640xi32, #tpu.memory_space<vmem>>
      %dma_wait3A_888 = tpu.memref_squeeze %dma_wait3A_887 : memref<1x640xi32, #tpu.memory_space<vmem>> -> memref<640xi32, #tpu.memory_space<vmem>>
      %dma_wait3A_889 = tpu.memref_slice %arg2[%add3A_884] : memref<3276800xi32, #tpu.memory_space<hbm>> -> memref<640xi32, #tpu.memory_space<hbm>>
      %dma_wait3A_890 = arith.constant 0 : i32
      %dma_wait3A_891 = tpu.memref_slice %arg6[%dma_wait3A_885, %dma_wait3A_890] : memref<2x640xi32, #tpu.memory_space<vmem>> -> memref<1x640xi32, #tpu.memory_space<vmem>>
      %dma_wait3A_892 = tpu.memref_squeeze %dma_wait3A_891 : memref<1x640xi32, #tpu.memory_space<vmem>> -> memref<640xi32, #tpu.memory_space<vmem>>
      %dma_wait3A_893 = tpu.memref_slice %arg2[%add3A_884] : memref<3276800xi32, #tpu.memory_space<hbm>> -> memref<640xi32, #tpu.memory_space<hbm>>
      tpu.wait_dma2 semaphore(%arg9 : memref<!tpu.dma_semaphore, #tpu.memory_space<semaphore_mem>>) src(%dma_wait3A_893 : memref<640xi32, #tpu.memory_space<hbm>>) dst(%dma_wait3A_892 : memref<640xi32, #tpu.memory_space<vmem>>)
      %sub3A_894 = arith.constant 2 : i32
      %sub3A_895 = arith.subi %add3A_881, %sub3A_894 : i32
      %mul3A_896 = arith.constant 640 : i32
      %mul3A_897 = arith.muli %sub3A_895, %mul3A_896 : i32
      %add3A_898 = arith.addi %mul3A_2, %mul3A_897 : i32
      %dma_wait3A_899 = arith.constant 1 : i32
      %dma_wait3A_900 = arith.constant 0 : i32
      %dma_wait3A_901 = arith.constant 0 : i32
      %dma_wait3A_902 = tpu.memref_slice %arg7[%dma_wait3A_899, %dma_wait3A_900, %dma_wait3A_901] : memref<2x640x64xf32, #tpu.memory_space<vmem>> -> memref<1x640x64xf32, #tpu.memory_space<vmem>>
      %dma_wait3A_903 = tpu.memref_squeeze %dma_wait3A_902 : memref<1x640x64xf32, #tpu.memory_space<vmem>> -> memref<640x64xf32, #tpu.memory_space<vmem>>
      %dma_wait3A_904 = arith.constant 0 : i32
      %dma_wait3A_905 = tpu.memref_slice %arg4[%add3A_898, %dma_wait3A_904] : memref<3276800x64xf32, #tpu.memory_space<hbm>> -> memref<640x64xf32, #tpu.memory_space<hbm>>
      %dma_wait3A_906 = arith.constant 0 : i32
      %dma_wait3A_907 = tpu.memref_slice %arg4[%add3A_898, %dma_wait3A_906] : memref<3276800x64xf32, #tpu.memory_space<hbm>> -> memref<640x64xf32, #tpu.memory_space<hbm>>
      %dma_wait3A_908 = arith.constant 0 : i32
      %dma_wait3A_909 = arith.constant 0 : i32
      %dma_wait3A_910 = tpu.memref_slice %arg7[%dma_wait3A_899, %dma_wait3A_908, %dma_wait3A_909] : memref<2x640x64xf32, #tpu.memory_space<vmem>> -> memref<1x640x64xf32, #tpu.memory_space<vmem>>
      %dma_wait3A_911 = tpu.memref_squeeze %dma_wait3A_910 : memref<1x640x64xf32, #tpu.memory_space<vmem>> -> memref<640x64xf32, #tpu.memory_space<vmem>>
      tpu.wait_dma2 semaphore(%arg13 : memref<!tpu.dma_semaphore, #tpu.memory_space<semaphore_mem>>) src(%dma_wait3A_911 : memref<640x64xf32, #tpu.memory_space<vmem>>) dst(%dma_wait3A_907 : memref<640x64xf32, #tpu.memory_space<hbm>>)
      %dma_start3A_912 = arith.constant 1 : i32
      %dma_start3A_913 = arith.constant 1 : i32
      %dma_start3A_914 = arith.constant 0 : i32
      %dma_start3A_915 = arith.constant 0 : i32
      %dma_start3A_916 = tpu.memref_slice %arg7[%dma_start3A_913, %dma_start3A_914, %dma_start3A_915] : memref<2x640x64xf32, #tpu.memory_space<vmem>> -> memref<1x128x64xf32, #tpu.memory_space<vmem>>
      %dma_start3A_917 = tpu.memref_squeeze %dma_start3A_916 : memref<1x128x64xf32, #tpu.memory_space<vmem>> -> memref<128x64xf32, #tpu.memory_space<vmem>>
      %dma_start3A_918 = arith.constant 0 : i32
      %dma_start3A_919 = tpu.memref_slice %arg6[%dma_start3A_912, %dma_start3A_918] : memref<2x640xi32, #tpu.memory_space<vmem>> -> memref<1x128xi32, #tpu.memory_space<vmem>>
      %dma_start3A_920 = tpu.memref_squeeze %dma_start3A_919 : memref<1x128xi32, #tpu.memory_space<vmem>> -> memref<128xi32, #tpu.memory_space<vmem>>
      %dma_start3A_921 = arith.constant 0 : i32
      %dma_start3A_922 = arith.constant 0 : i32
      %dma_start3A_923 = tpu.memref_slice %arg5[%dma_start3A_921, %dma_start3A_922] : memref<1000x64xf32, #tpu.memory_space<vmem_shared>> -> memref<1000x64xf32, #tpu.memory_space<vmem_shared>>
      tpu.enqueue_indirect_dma source(%dma_start3A_923 : memref<1000x64xf32, #tpu.memory_space<vmem_shared>>) target(%dma_start3A_917 : memref<128x64xf32, #tpu.memory_space<vmem>>) offsets(%dma_start3A_920 : memref<128xi32, #tpu.memory_space<vmem>>) semaphore(%arg11 : memref<!tpu.dma_semaphore, #tpu.memory_space<semaphore_mem>>)
      %dma_start3A_924 = arith.constant 1 : i32
      %dma_start3A_925 = arith.constant 1 : i32
      %dma_start3A_926 = arith.constant 128 : i32
      %dma_start3A_927 = arith.constant 0 : i32
      %dma_start3A_928 = tpu.memref_slice %arg7[%dma_start3A_925, %dma_start3A_926, %dma_start3A_927] : memref<2x640x64xf32, #tpu.memory_space<vmem>> -> memref<1x128x64xf32, #tpu.memory_space<vmem>>
      %dma_start3A_929 = tpu.memref_squeeze %dma_start3A_928 : memref<1x128x64xf32, #tpu.memory_space<vmem>> -> memref<128x64xf32, #tpu.memory_space<vmem>>
      %dma_start3A_930 = arith.constant 128 : i32
      %dma_start3A_931 = tpu.memref_slice %arg6[%dma_start3A_924, %dma_start3A_930] : memref<2x640xi32, #tpu.memory_space<vmem>> -> memref<1x128xi32, #tpu.memory_space<vmem>>
      %dma_start3A_932 = tpu.memref_squeeze %dma_start3A_931 : memref<1x128xi32, #tpu.memory_space<vmem>> -> memref<128xi32, #tpu.memory_space<vmem>>
      %dma_start3A_933 = arith.constant 0 : i32
      %dma_start3A_934 = arith.constant 0 : i32
      %dma_start3A_935 = tpu.memref_slice %arg5[%dma_start3A_933, %dma_start3A_934] : memref<1000x64xf32, #tpu.memory_space<vmem_shared>> -> memref<1000x64xf32, #tpu.memory_space<vmem_shared>>
      tpu.enqueue_indirect_dma source(%dma_start3A_935 : memref<1000x64xf32, #tpu.memory_space<vmem_shared>>) target(%dma_start3A_929 : memref<128x64xf32, #tpu.memory_space<vmem>>) offsets(%dma_start3A_932 : memref<128xi32, #tpu.memory_space<vmem>>) semaphore(%arg11 : memref<!tpu.dma_semaphore, #tpu.memory_space<semaphore_mem>>)
      %dma_start3A_936 = arith.constant 1 : i32
      %dma_start3A_937 = arith.constant 1 : i32
      %dma_start3A_938 = arith.constant 256 : i32
      %dma_start3A_939 = arith.constant 0 : i32
      %dma_start3A_940 = tpu.memref_slice %arg7[%dma_start3A_937, %dma_start3A_938, %dma_start3A_939] : memref<2x640x64xf32, #tpu.memory_space<vmem>> -> memref<1x128x64xf32, #tpu.memory_space<vmem>>
      %dma_start3A_941 = tpu.memref_squeeze %dma_start3A_940 : memref<1x128x64xf32, #tpu.memory_space<vmem>> -> memref<128x64xf32, #tpu.memory_space<vmem>>
      %dma_start3A_942 = arith.constant 256 : i32
      %dma_start3A_943 = tpu.memref_slice %arg6[%dma_start3A_936, %dma_start3A_942] : memref<2x640xi32, #tpu.memory_space<vmem>> -> memref<1x128xi32, #tpu.memory_space<vmem>>
      %dma_start3A_944 = tpu.memref_squeeze %dma_start3A_943 : memref<1x128xi32, #tpu.memory_space<vmem>> -> memref<128xi32, #tpu.memory_space<vmem>>
      %dma_start3A_945 = arith.constant 0 : i32
      %dma_start3A_946 = arith.constant 0 : i32
      %dma_start3A_947 = tpu.memref_slice %arg5[%dma_start3A_945, %dma_start3A_946] : memref<1000x64xf32, #tpu.memory_space<vmem_shared>> -> memref<1000x64xf32, #tpu.memory_space<vmem_shared>>
      tpu.enqueue_indirect_dma source(%dma_start3A_947 : memref<1000x64xf32, #tpu.memory_space<vmem_shared>>) target(%dma_start3A_941 : memref<128x64xf32, #tpu.memory_space<vmem>>) offsets(%dma_start3A_944 : memref<128xi32, #tpu.memory_space<vmem>>) semaphore(%arg11 : memref<!tpu.dma_semaphore, #tpu.memory_space<semaphore_mem>>)
      %dma_start3A_948 = arith.constant 1 : i32
      %dma_start3A_949 = arith.constant 1 : i32
      %dma_start3A_950 = arith.constant 384 : i32
      %dma_start3A_951 = arith.constant 0 : i32
      %dma_start3A_952 = tpu.memref_slice %arg7[%dma_start3A_949, %dma_start3A_950, %dma_start3A_951] : memref<2x640x64xf32, #tpu.memory_space<vmem>> -> memref<1x128x64xf32, #tpu.memory_space<vmem>>
      %dma_start3A_953 = tpu.memref_squeeze %dma_start3A_952 : memref<1x128x64xf32, #tpu.memory_space<vmem>> -> memref<128x64xf32, #tpu.memory_space<vmem>>
      %dma_start3A_954 = arith.constant 384 : i32
      %dma_start3A_955 = tpu.memref_slice %arg6[%dma_start3A_948, %dma_start3A_954] : memref<2x640xi32, #tpu.memory_space<vmem>> -> memref<1x128xi32, #tpu.memory_space<vmem>>
      %dma_start3A_956 = tpu.memref_squeeze %dma_start3A_955 : memref<1x128xi32, #tpu.memory_space<vmem>> -> memref<128xi32, #tpu.memory_space<vmem>>
      %dma_start3A_957 = arith.constant 0 : i32
      %dma_start3A_958 = arith.constant 0 : i32
      %dma_start3A_959 = tpu.memref_slice %arg5[%dma_start3A_957, %dma_start3A_958] : memref<1000x64xf32, #tpu.memory_space<vmem_shared>> -> memref<1000x64xf32, #tpu.memory_space<vmem_shared>>
      tpu.enqueue_indirect_dma source(%dma_start3A_959 : memref<1000x64xf32, #tpu.memory_space<vmem_shared>>) target(%dma_start3A_953 : memref<128x64xf32, #tpu.memory_space<vmem>>) offsets(%dma_start3A_956 : memref<128xi32, #tpu.memory_space<vmem>>) semaphore(%arg11 : memref<!tpu.dma_semaphore, #tpu.memory_space<semaphore_mem>>)
      %dma_start3A_960 = arith.constant 1 : i32
      %dma_start3A_961 = arith.constant 1 : i32
      %dma_start3A_962 = arith.constant 512 : i32
      %dma_start3A_963 = arith.constant 0 : i32
      %dma_start3A_964 = tpu.memref_slice %arg7[%dma_start3A_961, %dma_start3A_962, %dma_start3A_963] : memref<2x640x64xf32, #tpu.memory_space<vmem>> -> memref<1x128x64xf32, #tpu.memory_space<vmem>>
      %dma_start3A_965 = tpu.memref_squeeze %dma_start3A_964 : memref<1x128x64xf32, #tpu.memory_space<vmem>> -> memref<128x64xf32, #tpu.memory_space<vmem>>
      %dma_start3A_966 = arith.constant 512 : i32
      %dma_start3A_967 = tpu.memref_slice %arg6[%dma_start3A_960, %dma_start3A_966] : memref<2x640xi32, #tpu.memory_space<vmem>> -> memref<1x128xi32, #tpu.memory_space<vmem>>
      %dma_start3A_968 = tpu.memref_squeeze %dma_start3A_967 : memref<1x128xi32, #tpu.memory_space<vmem>> -> memref<128xi32, #tpu.memory_space<vmem>>
      %dma_start3A_969 = arith.constant 0 : i32
      %dma_start3A_970 = arith.constant 0 : i32
      %dma_start3A_971 = tpu.memref_slice %arg5[%dma_start3A_969, %dma_start3A_970] : memref<1000x64xf32, #tpu.memory_space<vmem_shared>> -> memref<1000x64xf32, #tpu.memory_space<vmem_shared>>
      tpu.enqueue_indirect_dma source(%dma_start3A_971 : memref<1000x64xf32, #tpu.memory_space<vmem_shared>>) target(%dma_start3A_965 : memref<128x64xf32, #tpu.memory_space<vmem>>) offsets(%dma_start3A_968 : memref<128xi32, #tpu.memory_space<vmem>>) semaphore(%arg11 : memref<!tpu.dma_semaphore, #tpu.memory_space<semaphore_mem>>)
      %dma_wait3A_972 = arith.constant 1 : i32
      %dma_wait3A_973 = arith.constant 1 : i32
      %dma_wait3A_974 = arith.constant 0 : i32
      %dma_wait3A_975 = arith.constant 0 : i32
      %dma_wait3A_976 = tpu.memref_slice %arg7[%dma_wait3A_973, %dma_wait3A_974, %dma_wait3A_975] : memref<2x640x64xf32, #tpu.memory_space<vmem>> -> memref<1x128x64xf32, #tpu.memory_space<vmem>>
      %dma_wait3A_977 = tpu.memref_squeeze %dma_wait3A_976 : memref<1x128x64xf32, #tpu.memory_space<vmem>> -> memref<128x64xf32, #tpu.memory_space<vmem>>
      %dma_wait3A_978 = arith.constant 0 : i32
      %dma_wait3A_979 = tpu.memref_slice %arg6[%dma_wait3A_972, %dma_wait3A_978] : memref<2x640xi32, #tpu.memory_space<vmem>> -> memref<1x128xi32, #tpu.memory_space<vmem>>
      %dma_wait3A_980 = tpu.memref_squeeze %dma_wait3A_979 : memref<1x128xi32, #tpu.memory_space<vmem>> -> memref<128xi32, #tpu.memory_space<vmem>>
      %dma_wait3A_981 = arith.constant 0 : i32
      %dma_wait3A_982 = arith.constant 0 : i32
      %dma_wait3A_983 = tpu.memref_slice %arg5[%dma_wait3A_981, %dma_wait3A_982] : memref<1000x64xf32, #tpu.memory_space<vmem_shared>> -> memref<1000x64xf32, #tpu.memory_space<vmem_shared>>
      tpu.wait_indirect_dma semaphore(%arg11 : memref<!tpu.dma_semaphore, #tpu.memory_space<semaphore_mem>>) src(%dma_wait3A_983 : memref<1000x64xf32, #tpu.memory_space<vmem_shared>>) dst(%dma_wait3A_977 : memref<128x64xf32, #tpu.memory_space<vmem>>)
      %dma_wait3A_984 = arith.constant 1 : i32
      %dma_wait3A_985 = arith.constant 1 : i32
      %dma_wait3A_986 = arith.constant 128 : i32
      %dma_wait3A_987 = arith.constant 0 : i32
      %dma_wait3A_988 = tpu.memref_slice %arg7[%dma_wait3A_985, %dma_wait3A_986, %dma_wait3A_987] : memref<2x640x64xf32, #tpu.memory_space<vmem>> -> memref<1x128x64xf32, #tpu.memory_space<vmem>>
      %dma_wait3A_989 = tpu.memref_squeeze %dma_wait3A_988 : memref<1x128x64xf32, #tpu.memory_space<vmem>> -> memref<128x64xf32, #tpu.memory_space<vmem>>
      %dma_wait3A_990 = arith.constant 128 : i32
      %dma_wait3A_991 = tpu.memref_slice %arg6[%dma_wait3A_984, %dma_wait3A_990] : memref<2x640xi32, #tpu.memory_space<vmem>> -> memref<1x128xi32, #tpu.memory_space<vmem>>
      %dma_wait3A_992 = tpu.memref_squeeze %dma_wait3A_991 : memref<1x128xi32, #tpu.memory_space<vmem>> -> memref<128xi32, #tpu.memory_space<vmem>>
      %dma_wait3A_993 = arith.constant 0 : i32
      %dma_wait3A_994 = arith.constant 0 : i32
      %dma_wait3A_995 = tpu.memref_slice %arg5[%dma_wait3A_993, %dma_wait3A_994] : memref<1000x64xf32, #tpu.memory_space<vmem_shared>> -> memref<1000x64xf32, #tpu.memory_space<vmem_shared>>
      tpu.wait_indirect_dma semaphore(%arg11 : memref<!tpu.dma_semaphore, #tpu.memory_space<semaphore_mem>>) src(%dma_wait3A_995 : memref<1000x64xf32, #tpu.memory_space<vmem_shared>>) dst(%dma_wait3A_989 : memref<128x64xf32, #tpu.memory_space<vmem>>)
      %dma_wait3A_996 = arith.constant 1 : i32
      %dma_wait3A_997 = arith.constant 1 : i32
      %dma_wait3A_998 = arith.constant 256 : i32
      %dma_wait3A_999 = arith.constant 0 : i32
      %dma_wait3A_1000 = tpu.memref_slice %arg7[%dma_wait3A_997, %dma_wait3A_998, %dma_wait3A_999] : memref<2x640x64xf32, #tpu.memory_space<vmem>> -> memref<1x128x64xf32, #tpu.memory_space<vmem>>
      %dma_wait3A_1001 = tpu.memref_squeeze %dma_wait3A_1000 : memref<1x128x64xf32, #tpu.memory_space<vmem>> -> memref<128x64xf32, #tpu.memory_space<vmem>>
      %dma_wait3A_1002 = arith.constant 256 : i32
      %dma_wait3A_1003 = tpu.memref_slice %arg6[%dma_wait3A_996, %dma_wait3A_1002] : memref<2x640xi32, #tpu.memory_space<vmem>> -> memref<1x128xi32, #tpu.memory_space<vmem>>
      %dma_wait3A_1004 = tpu.memref_squeeze %dma_wait3A_1003 : memref<1x128xi32, #tpu.memory_space<vmem>> -> memref<128xi32, #tpu.memory_space<vmem>>
      %dma_wait3A_1005 = arith.constant 0 : i32
      %dma_wait3A_1006 = arith.constant 0 : i32
      %dma_wait3A_1007 = tpu.memref_slice %arg5[%dma_wait3A_1005, %dma_wait3A_1006] : memref<1000x64xf32, #tpu.memory_space<vmem_shared>> -> memref<1000x64xf32, #tpu.memory_space<vmem_shared>>
      tpu.wait_indirect_dma semaphore(%arg11 : memref<!tpu.dma_semaphore, #tpu.memory_space<semaphore_mem>>) src(%dma_wait3A_1007 : memref<1000x64xf32, #tpu.memory_space<vmem_shared>>) dst(%dma_wait3A_1001 : memref<128x64xf32, #tpu.memory_space<vmem>>)
      %dma_wait3A_1008 = arith.constant 1 : i32
      %dma_wait3A_1009 = arith.constant 1 : i32
      %dma_wait3A_1010 = arith.constant 384 : i32
      %dma_wait3A_1011 = arith.constant 0 : i32
      %dma_wait3A_1012 = tpu.memref_slice %arg7[%dma_wait3A_1009, %dma_wait3A_1010, %dma_wait3A_1011] : memref<2x640x64xf32, #tpu.memory_space<vmem>> -> memref<1x128x64xf32, #tpu.memory_space<vmem>>
      %dma_wait3A_1013 = tpu.memref_squeeze %dma_wait3A_1012 : memref<1x128x64xf32, #tpu.memory_space<vmem>> -> memref<128x64xf32, #tpu.memory_space<vmem>>
      %dma_wait3A_1014 = arith.constant 384 : i32
      %dma_wait3A_1015 = tpu.memref_slice %arg6[%dma_wait3A_1008, %dma_wait3A_1014] : memref<2x640xi32, #tpu.memory_space<vmem>> -> memref<1x128xi32, #tpu.memory_space<vmem>>
      %dma_wait3A_1016 = tpu.memref_squeeze %dma_wait3A_1015 : memref<1x128xi32, #tpu.memory_space<vmem>> -> memref<128xi32, #tpu.memory_space<vmem>>
      %dma_wait3A_1017 = arith.constant 0 : i32
      %dma_wait3A_1018 = arith.constant 0 : i32
      %dma_wait3A_1019 = tpu.memref_slice %arg5[%dma_wait3A_1017, %dma_wait3A_1018] : memref<1000x64xf32, #tpu.memory_space<vmem_shared>> -> memref<1000x64xf32, #tpu.memory_space<vmem_shared>>
      tpu.wait_indirect_dma semaphore(%arg11 : memref<!tpu.dma_semaphore, #tpu.memory_space<semaphore_mem>>) src(%dma_wait3A_1019 : memref<1000x64xf32, #tpu.memory_space<vmem_shared>>) dst(%dma_wait3A_1013 : memref<128x64xf32, #tpu.memory_space<vmem>>)
      %dma_wait3A_1020 = arith.constant 1 : i32
      %dma_wait3A_1021 = arith.constant 1 : i32
      %dma_wait3A_1022 = arith.constant 512 : i32
      %dma_wait3A_1023 = arith.constant 0 : i32
      %dma_wait3A_1024 = tpu.memref_slice %arg7[%dma_wait3A_1021, %dma_wait3A_1022, %dma_wait3A_1023] : memref<2x640x64xf32, #tpu.memory_space<vmem>> -> memref<1x128x64xf32, #tpu.memory_space<vmem>>
      %dma_wait3A_1025 = tpu.memref_squeeze %dma_wait3A_1024 : memref<1x128x64xf32, #tpu.memory_space<vmem>> -> memref<128x64xf32, #tpu.memory_space<vmem>>
      %dma_wait3A_1026 = arith.constant 512 : i32
      %dma_wait3A_1027 = tpu.memref_slice %arg6[%dma_wait3A_1020, %dma_wait3A_1026] : memref<2x640xi32, #tpu.memory_space<vmem>> -> memref<1x128xi32, #tpu.memory_space<vmem>>
      %dma_wait3A_1028 = tpu.memref_squeeze %dma_wait3A_1027 : memref<1x128xi32, #tpu.memory_space<vmem>> -> memref<128xi32, #tpu.memory_space<vmem>>
      %dma_wait3A_1029 = arith.constant 0 : i32
      %dma_wait3A_1030 = arith.constant 0 : i32
      %dma_wait3A_1031 = tpu.memref_slice %arg5[%dma_wait3A_1029, %dma_wait3A_1030] : memref<1000x64xf32, #tpu.memory_space<vmem_shared>> -> memref<1000x64xf32, #tpu.memory_space<vmem_shared>>
      tpu.wait_indirect_dma semaphore(%arg11 : memref<!tpu.dma_semaphore, #tpu.memory_space<semaphore_mem>>) src(%dma_wait3A_1031 : memref<1000x64xf32, #tpu.memory_space<vmem_shared>>) dst(%dma_wait3A_1025 : memref<128x64xf32, #tpu.memory_space<vmem>>)
      %add3A_1032 = arith.constant 2 : i32
      %add3A_1033 = arith.addi %add3A_881, %add3A_1032 : i32
      %mul3A_1034 = arith.constant 640 : i32
      %mul3A_1035 = arith.muli %add3A_1033, %mul3A_1034 : i32
      %add3A_1036 = arith.addi %mul3A_2, %mul3A_1035 : i32
      %dma_start3A_1037 = arith.constant 1 : i32
      %dma_start3A_1038 = arith.constant 0 : i32
      %dma_start3A_1039 = tpu.memref_slice %arg6[%dma_start3A_1037, %dma_start3A_1038] : memref<2x640xi32, #tpu.memory_space<vmem>> -> memref<1x640xi32, #tpu.memory_space<vmem>>
      %dma_start3A_1040 = tpu.memref_squeeze %dma_start3A_1039 : memref<1x640xi32, #tpu.memory_space<vmem>> -> memref<640xi32, #tpu.memory_space<vmem>>
      %dma_start3A_1041 = tpu.memref_slice %arg2[%add3A_1036] : memref<3276800xi32, #tpu.memory_space<hbm>> -> memref<640xi32, #tpu.memory_space<hbm>>
      %dma_start3A_1042 = arith.constant 0 : i32
      %dma_start3A_1043 = tpu.memref_slice %arg6[%dma_start3A_1037, %dma_start3A_1042] : memref<2x640xi32, #tpu.memory_space<vmem>> -> memref<1x640xi32, #tpu.memory_space<vmem>>
      %dma_start3A_1044 = tpu.memref_squeeze %dma_start3A_1043 : memref<1x640xi32, #tpu.memory_space<vmem>> -> memref<640xi32, #tpu.memory_space<vmem>>
      %dma_start3A_1045 = tpu.memref_slice %arg2[%add3A_1036] : memref<3276800xi32, #tpu.memory_space<hbm>> -> memref<640xi32, #tpu.memory_space<hbm>>
      tpu.enqueue_dma source(%dma_start3A_1045 : memref<640xi32, #tpu.memory_space<hbm>>) target(%dma_start3A_1044 : memref<640xi32, #tpu.memory_space<vmem>>) target_semaphore(%arg9 : memref<!tpu.dma_semaphore, #tpu.memory_space<semaphore_mem>>)
      %mul3A_1046 = arith.constant 640 : i32
      %mul3A_1047 = arith.muli %add3A_881, %mul3A_1046 : i32
      %add3A_1048 = arith.addi %mul3A_2, %mul3A_1047 : i32
      %dma_start3A_1049 = arith.constant 1 : i32
      %dma_start3A_1050 = arith.constant 0 : i32
      %dma_start3A_1051 = arith.constant 0 : i32
      %dma_start3A_1052 = tpu.memref_slice %arg7[%dma_start3A_1049, %dma_start3A_1050, %dma_start3A_1051] : memref<2x640x64xf32, #tpu.memory_space<vmem>> -> memref<1x640x64xf32, #tpu.memory_space<vmem>>
      %dma_start3A_1053 = tpu.memref_squeeze %dma_start3A_1052 : memref<1x640x64xf32, #tpu.memory_space<vmem>> -> memref<640x64xf32, #tpu.memory_space<vmem>>
      %dma_start3A_1054 = arith.constant 0 : i32
      %dma_start3A_1055 = tpu.memref_slice %arg4[%add3A_1048, %dma_start3A_1054] : memref<3276800x64xf32, #tpu.memory_space<hbm>> -> memref<640x64xf32, #tpu.memory_space<hbm>>
      %dma_start3A_1056 = arith.constant 0 : i32
      %dma_start3A_1057 = tpu.memref_slice %arg4[%add3A_1048, %dma_start3A_1056] : memref<3276800x64xf32, #tpu.memory_space<hbm>> -> memref<640x64xf32, #tpu.memory_space<hbm>>
      %dma_start3A_1058 = arith.constant 0 : i32
      %dma_start3A_1059 = arith.constant 0 : i32
      %dma_start3A_1060 = tpu.memref_slice %arg7[%dma_start3A_1049, %dma_start3A_1058, %dma_start3A_1059] : memref<2x640x64xf32, #tpu.memory_space<vmem>> -> memref<1x640x64xf32, #tpu.memory_space<vmem>>
      %dma_start3A_1061 = tpu.memref_squeeze %dma_start3A_1060 : memref<1x640x64xf32, #tpu.memory_space<vmem>> -> memref<640x64xf32, #tpu.memory_space<vmem>>
      tpu.enqueue_dma source(%dma_start3A_1061 : memref<640x64xf32, #tpu.memory_space<vmem>>) target(%dma_start3A_1057 : memref<640x64xf32, #tpu.memory_space<hbm>>) target_semaphore(%arg13 : memref<!tpu.dma_semaphore, #tpu.memory_space<semaphore_mem>>)
    }
    %scan3A_343 = arith.constant 78 : i32
    %add3A_344 = arith.constant 101120 : i32
    %add3A_345 = arith.addi %mul3A_2, %add3A_344 : i32
    %dma_wait3A_346 = arith.constant 0 : i32
    %dma_wait3A_347 = arith.constant 0 : i32
    %dma_wait3A_348 = tpu.memref_slice %arg6[%dma_wait3A_346, %dma_wait3A_347] : memref<2x640xi32, #tpu.memory_space<vmem>> -> memref<1x640xi32, #tpu.memory_space<vmem>>
    %dma_wait3A_349 = tpu.memref_squeeze %dma_wait3A_348 : memref<1x640xi32, #tpu.memory_space<vmem>> -> memref<640xi32, #tpu.memory_space<vmem>>
    %dma_wait3A_350 = tpu.memref_slice %arg2[%add3A_345] : memref<3276800xi32, #tpu.memory_space<hbm>> -> memref<640xi32, #tpu.memory_space<hbm>>
    %dma_wait3A_351 = arith.constant 0 : i32
    %dma_wait3A_352 = tpu.memref_slice %arg6[%dma_wait3A_346, %dma_wait3A_351] : memref<2x640xi32, #tpu.memory_space<vmem>> -> memref<1x640xi32, #tpu.memory_space<vmem>>
    %dma_wait3A_353 = tpu.memref_squeeze %dma_wait3A_352 : memref<1x640xi32, #tpu.memory_space<vmem>> -> memref<640xi32, #tpu.memory_space<vmem>>
    %dma_wait3A_354 = tpu.memref_slice %arg2[%add3A_345] : memref<3276800xi32, #tpu.memory_space<hbm>> -> memref<640xi32, #tpu.memory_space<hbm>>
    tpu.wait_dma2 semaphore(%arg8 : memref<!tpu.dma_semaphore, #tpu.memory_space<semaphore_mem>>) src(%dma_wait3A_354 : memref<640xi32, #tpu.memory_space<hbm>>) dst(%dma_wait3A_353 : memref<640xi32, #tpu.memory_space<vmem>>)
    %add3A_355 = arith.constant 99840 : i32
    %add3A_356 = arith.addi %mul3A_2, %add3A_355 : i32
    %dma_wait3A_357 = arith.constant 0 : i32
    %dma_wait3A_358 = arith.constant 0 : i32
    %dma_wait3A_359 = arith.constant 0 : i32
    %dma_wait3A_360 = tpu.memref_slice %arg7[%dma_wait3A_357, %dma_wait3A_358, %dma_wait3A_359] : memref<2x640x64xf32, #tpu.memory_space<vmem>> -> memref<1x640x64xf32, #tpu.memory_space<vmem>>
    %dma_wait3A_361 = tpu.memref_squeeze %dma_wait3A_360 : memref<1x640x64xf32, #tpu.memory_space<vmem>> -> memref<640x64xf32, #tpu.memory_space<vmem>>
    %dma_wait3A_362 = arith.constant 0 : i32
    %dma_wait3A_363 = tpu.memref_slice %arg4[%add3A_356, %dma_wait3A_362] : memref<3276800x64xf32, #tpu.memory_space<hbm>> -> memref<640x64xf32, #tpu.memory_space<hbm>>
    %dma_wait3A_364 = arith.constant 0 : i32
    %dma_wait3A_365 = tpu.memref_slice %arg4[%add3A_356, %dma_wait3A_364] : memref<3276800x64xf32, #tpu.memory_space<hbm>> -> memref<640x64xf32, #tpu.memory_space<hbm>>
    %dma_wait3A_366 = arith.constant 0 : i32
    %dma_wait3A_367 = arith.constant 0 : i32
    %dma_wait3A_368 = tpu.memref_slice %arg7[%dma_wait3A_357, %dma_wait3A_366, %dma_wait3A_367] : memref<2x640x64xf32, #tpu.memory_space<vmem>> -> memref<1x640x64xf32, #tpu.memory_space<vmem>>
    %dma_wait3A_369 = tpu.memref_squeeze %dma_wait3A_368 : memref<1x640x64xf32, #tpu.memory_space<vmem>> -> memref<640x64xf32, #tpu.memory_space<vmem>>
    tpu.wait_dma2 semaphore(%arg12 : memref<!tpu.dma_semaphore, #tpu.memory_space<semaphore_mem>>) src(%dma_wait3A_369 : memref<640x64xf32, #tpu.memory_space<vmem>>) dst(%dma_wait3A_365 : memref<640x64xf32, #tpu.memory_space<hbm>>)
    %dma_start3A_370 = arith.constant 0 : i32
    %dma_start3A_371 = arith.constant 0 : i32
    %dma_start3A_372 = arith.constant 0 : i32
    %dma_start3A_373 = arith.constant 0 : i32
    %dma_start3A_374 = tpu.memref_slice %arg7[%dma_start3A_371, %dma_start3A_372, %dma_start3A_373] : memref<2x640x64xf32, #tpu.memory_space<vmem>> -> memref<1x128x64xf32, #tpu.memory_space<vmem>>
    %dma_start3A_375 = tpu.memref_squeeze %dma_start3A_374 : memref<1x128x64xf32, #tpu.memory_space<vmem>> -> memref<128x64xf32, #tpu.memory_space<vmem>>
    %dma_start3A_376 = arith.constant 0 : i32
    %dma_start3A_377 = tpu.memref_slice %arg6[%dma_start3A_370, %dma_start3A_376] : memref<2x640xi32, #tpu.memory_space<vmem>> -> memref<1x128xi32, #tpu.memory_space<vmem>>
    %dma_start3A_378 = tpu.memref_squeeze %dma_start3A_377 : memref<1x128xi32, #tpu.memory_space<vmem>> -> memref<128xi32, #tpu.memory_space<vmem>>
    %dma_start3A_379 = arith.constant 0 : i32
    %dma_start3A_380 = arith.constant 0 : i32
    %dma_start3A_381 = tpu.memref_slice %arg5[%dma_start3A_379, %dma_start3A_380] : memref<1000x64xf32, #tpu.memory_space<vmem_shared>> -> memref<1000x64xf32, #tpu.memory_space<vmem_shared>>
    tpu.enqueue_indirect_dma source(%dma_start3A_381 : memref<1000x64xf32, #tpu.memory_space<vmem_shared>>) target(%dma_start3A_375 : memref<128x64xf32, #tpu.memory_space<vmem>>) offsets(%dma_start3A_378 : memref<128xi32, #tpu.memory_space<vmem>>) semaphore(%arg10 : memref<!tpu.dma_semaphore, #tpu.memory_space<semaphore_mem>>)
    %dma_start3A_382 = arith.constant 0 : i32
    %dma_start3A_383 = arith.constant 0 : i32
    %dma_start3A_384 = arith.constant 128 : i32
    %dma_start3A_385 = arith.constant 0 : i32
    %dma_start3A_386 = tpu.memref_slice %arg7[%dma_start3A_383, %dma_start3A_384, %dma_start3A_385] : memref<2x640x64xf32, #tpu.memory_space<vmem>> -> memref<1x128x64xf32, #tpu.memory_space<vmem>>
    %dma_start3A_387 = tpu.memref_squeeze %dma_start3A_386 : memref<1x128x64xf32, #tpu.memory_space<vmem>> -> memref<128x64xf32, #tpu.memory_space<vmem>>
    %dma_start3A_388 = arith.constant 128 : i32
    %dma_start3A_389 = tpu.memref_slice %arg6[%dma_start3A_382, %dma_start3A_388] : memref<2x640xi32, #tpu.memory_space<vmem>> -> memref<1x128xi32, #tpu.memory_space<vmem>>
    %dma_start3A_390 = tpu.memref_squeeze %dma_start3A_389 : memref<1x128xi32, #tpu.memory_space<vmem>> -> memref<128xi32, #tpu.memory_space<vmem>>
    %dma_start3A_391 = arith.constant 0 : i32
    %dma_start3A_392 = arith.constant 0 : i32
    %dma_start3A_393 = tpu.memref_slice %arg5[%dma_start3A_391, %dma_start3A_392] : memref<1000x64xf32, #tpu.memory_space<vmem_shared>> -> memref<1000x64xf32, #tpu.memory_space<vmem_shared>>
    tpu.enqueue_indirect_dma source(%dma_start3A_393 : memref<1000x64xf32, #tpu.memory_space<vmem_shared>>) target(%dma_start3A_387 : memref<128x64xf32, #tpu.memory_space<vmem>>) offsets(%dma_start3A_390 : memref<128xi32, #tpu.memory_space<vmem>>) semaphore(%arg10 : memref<!tpu.dma_semaphore, #tpu.memory_space<semaphore_mem>>)
    %dma_start3A_394 = arith.constant 0 : i32
    %dma_start3A_395 = arith.constant 0 : i32
    %dma_start3A_396 = arith.constant 256 : i32
    %dma_start3A_397 = arith.constant 0 : i32
    %dma_start3A_398 = tpu.memref_slice %arg7[%dma_start3A_395, %dma_start3A_396, %dma_start3A_397] : memref<2x640x64xf32, #tpu.memory_space<vmem>> -> memref<1x128x64xf32, #tpu.memory_space<vmem>>
    %dma_start3A_399 = tpu.memref_squeeze %dma_start3A_398 : memref<1x128x64xf32, #tpu.memory_space<vmem>> -> memref<128x64xf32, #tpu.memory_space<vmem>>
    %dma_start3A_400 = arith.constant 256 : i32
    %dma_start3A_401 = tpu.memref_slice %arg6[%dma_start3A_394, %dma_start3A_400] : memref<2x640xi32, #tpu.memory_space<vmem>> -> memref<1x128xi32, #tpu.memory_space<vmem>>
    %dma_start3A_402 = tpu.memref_squeeze %dma_start3A_401 : memref<1x128xi32, #tpu.memory_space<vmem>> -> memref<128xi32, #tpu.memory_space<vmem>>
    %dma_start3A_403 = arith.constant 0 : i32
    %dma_start3A_404 = arith.constant 0 : i32
    %dma_start3A_405 = tpu.memref_slice %arg5[%dma_start3A_403, %dma_start3A_404] : memref<1000x64xf32, #tpu.memory_space<vmem_shared>> -> memref<1000x64xf32, #tpu.memory_space<vmem_shared>>
    tpu.enqueue_indirect_dma source(%dma_start3A_405 : memref<1000x64xf32, #tpu.memory_space<vmem_shared>>) target(%dma_start3A_399 : memref<128x64xf32, #tpu.memory_space<vmem>>) offsets(%dma_start3A_402 : memref<128xi32, #tpu.memory_space<vmem>>) semaphore(%arg10 : memref<!tpu.dma_semaphore, #tpu.memory_space<semaphore_mem>>)
    %dma_start3A_406 = arith.constant 0 : i32
    %dma_start3A_407 = arith.constant 0 : i32
    %dma_start3A_408 = arith.constant 384 : i32
    %dma_start3A_409 = arith.constant 0 : i32
    %dma_start3A_410 = tpu.memref_slice %arg7[%dma_start3A_407, %dma_start3A_408, %dma_start3A_409] : memref<2x640x64xf32, #tpu.memory_space<vmem>> -> memref<1x128x64xf32, #tpu.memory_space<vmem>>
    %dma_start3A_411 = tpu.memref_squeeze %dma_start3A_410 : memref<1x128x64xf32, #tpu.memory_space<vmem>> -> memref<128x64xf32, #tpu.memory_space<vmem>>
    %dma_start3A_412 = arith.constant 384 : i32
    %dma_start3A_413 = tpu.memref_slice %arg6[%dma_start3A_406, %dma_start3A_412] : memref<2x640xi32, #tpu.memory_space<vmem>> -> memref<1x128xi32, #tpu.memory_space<vmem>>
    %dma_start3A_414 = tpu.memref_squeeze %dma_start3A_413 : memref<1x128xi32, #tpu.memory_space<vmem>> -> memref<128xi32, #tpu.memory_space<vmem>>
    %dma_start3A_415 = arith.constant 0 : i32
    %dma_start3A_416 = arith.constant 0 : i32
    %dma_start3A_417 = tpu.memref_slice %arg5[%dma_start3A_415, %dma_start3A_416] : memref<1000x64xf32, #tpu.memory_space<vmem_shared>> -> memref<1000x64xf32, #tpu.memory_space<vmem_shared>>
    tpu.enqueue_indirect_dma source(%dma_start3A_417 : memref<1000x64xf32, #tpu.memory_space<vmem_shared>>) target(%dma_start3A_411 : memref<128x64xf32, #tpu.memory_space<vmem>>) offsets(%dma_start3A_414 : memref<128xi32, #tpu.memory_space<vmem>>) semaphore(%arg10 : memref<!tpu.dma_semaphore, #tpu.memory_space<semaphore_mem>>)
    %dma_start3A_418 = arith.constant 0 : i32
    %dma_start3A_419 = arith.constant 0 : i32
    %dma_start3A_420 = arith.constant 512 : i32
    %dma_start3A_421 = arith.constant 0 : i32
    %dma_start3A_422 = tpu.memref_slice %arg7[%dma_start3A_419, %dma_start3A_420, %dma_start3A_421] : memref<2x640x64xf32, #tpu.memory_space<vmem>> -> memref<1x128x64xf32, #tpu.memory_space<vmem>>
    %dma_start3A_423 = tpu.memref_squeeze %dma_start3A_422 : memref<1x128x64xf32, #tpu.memory_space<vmem>> -> memref<128x64xf32, #tpu.memory_space<vmem>>
    %dma_start3A_424 = arith.constant 512 : i32
    %dma_start3A_425 = tpu.memref_slice %arg6[%dma_start3A_418, %dma_start3A_424] : memref<2x640xi32, #tpu.memory_space<vmem>> -> memref<1x128xi32, #tpu.memory_space<vmem>>
    %dma_start3A_426 = tpu.memref_squeeze %dma_start3A_425 : memref<1x128xi32, #tpu.memory_space<vmem>> -> memref<128xi32, #tpu.memory_space<vmem>>
    %dma_start3A_427 = arith.constant 0 : i32
    %dma_start3A_428 = arith.constant 0 : i32
    %dma_start3A_429 = tpu.memref_slice %arg5[%dma_start3A_427, %dma_start3A_428] : memref<1000x64xf32, #tpu.memory_space<vmem_shared>> -> memref<1000x64xf32, #tpu.memory_space<vmem_shared>>
    tpu.enqueue_indirect_dma source(%dma_start3A_429 : memref<1000x64xf32, #tpu.memory_space<vmem_shared>>) target(%dma_start3A_423 : memref<128x64xf32, #tpu.memory_space<vmem>>) offsets(%dma_start3A_426 : memref<128xi32, #tpu.memory_space<vmem>>) semaphore(%arg10 : memref<!tpu.dma_semaphore, #tpu.memory_space<semaphore_mem>>)
    %dma_wait3A_430 = arith.constant 0 : i32
    %dma_wait3A_431 = arith.constant 0 : i32
    %dma_wait3A_432 = arith.constant 0 : i32
    %dma_wait3A_433 = arith.constant 0 : i32
    %dma_wait3A_434 = tpu.memref_slice %arg7[%dma_wait3A_431, %dma_wait3A_432, %dma_wait3A_433] : memref<2x640x64xf32, #tpu.memory_space<vmem>> -> memref<1x128x64xf32, #tpu.memory_space<vmem>>
    %dma_wait3A_435 = tpu.memref_squeeze %dma_wait3A_434 : memref<1x128x64xf32, #tpu.memory_space<vmem>> -> memref<128x64xf32, #tpu.memory_space<vmem>>
    %dma_wait3A_436 = arith.constant 0 : i32
    %dma_wait3A_437 = tpu.memref_slice %arg6[%dma_wait3A_430, %dma_wait3A_436] : memref<2x640xi32, #tpu.memory_space<vmem>> -> memref<1x128xi32, #tpu.memory_space<vmem>>
    %dma_wait3A_438 = tpu.memref_squeeze %dma_wait3A_437 : memref<1x128xi32, #tpu.memory_space<vmem>> -> memref<128xi32, #tpu.memory_space<vmem>>
    %dma_wait3A_439 = arith.constant 0 : i32
    %dma_wait3A_440 = arith.constant 0 : i32
    %dma_wait3A_441 = tpu.memref_slice %arg5[%dma_wait3A_439, %dma_wait3A_440] : memref<1000x64xf32, #tpu.memory_space<vmem_shared>> -> memref<1000x64xf32, #tpu.memory_space<vmem_shared>>
    tpu.wait_indirect_dma semaphore(%arg10 : memref<!tpu.dma_semaphore, #tpu.memory_space<semaphore_mem>>) src(%dma_wait3A_441 : memref<1000x64xf32, #tpu.memory_space<vmem_shared>>) dst(%dma_wait3A_435 : memref<128x64xf32, #tpu.memory_space<vmem>>)
    %dma_wait3A_442 = arith.constant 0 : i32
    %dma_wait3A_443 = arith.constant 0 : i32
    %dma_wait3A_444 = arith.constant 128 : i32
    %dma_wait3A_445 = arith.constant 0 : i32
    %dma_wait3A_446 = tpu.memref_slice %arg7[%dma_wait3A_443, %dma_wait3A_444, %dma_wait3A_445] : memref<2x640x64xf32, #tpu.memory_space<vmem>> -> memref<1x128x64xf32, #tpu.memory_space<vmem>>
    %dma_wait3A_447 = tpu.memref_squeeze %dma_wait3A_446 : memref<1x128x64xf32, #tpu.memory_space<vmem>> -> memref<128x64xf32, #tpu.memory_space<vmem>>
    %dma_wait3A_448 = arith.constant 128 : i32
    %dma_wait3A_449 = tpu.memref_slice %arg6[%dma_wait3A_442, %dma_wait3A_448] : memref<2x640xi32, #tpu.memory_space<vmem>> -> memref<1x128xi32, #tpu.memory_space<vmem>>
    %dma_wait3A_450 = tpu.memref_squeeze %dma_wait3A_449 : memref<1x128xi32, #tpu.memory_space<vmem>> -> memref<128xi32, #tpu.memory_space<vmem>>
    %dma_wait3A_451 = arith.constant 0 : i32
    %dma_wait3A_452 = arith.constant 0 : i32
    %dma_wait3A_453 = tpu.memref_slice %arg5[%dma_wait3A_451, %dma_wait3A_452] : memref<1000x64xf32, #tpu.memory_space<vmem_shared>> -> memref<1000x64xf32, #tpu.memory_space<vmem_shared>>
    tpu.wait_indirect_dma semaphore(%arg10 : memref<!tpu.dma_semaphore, #tpu.memory_space<semaphore_mem>>) src(%dma_wait3A_453 : memref<1000x64xf32, #tpu.memory_space<vmem_shared>>) dst(%dma_wait3A_447 : memref<128x64xf32, #tpu.memory_space<vmem>>)
    %dma_wait3A_454 = arith.constant 0 : i32
    %dma_wait3A_455 = arith.constant 0 : i32
    %dma_wait3A_456 = arith.constant 256 : i32
    %dma_wait3A_457 = arith.constant 0 : i32
    %dma_wait3A_458 = tpu.memref_slice %arg7[%dma_wait3A_455, %dma_wait3A_456, %dma_wait3A_457] : memref<2x640x64xf32, #tpu.memory_space<vmem>> -> memref<1x128x64xf32, #tpu.memory_space<vmem>>
    %dma_wait3A_459 = tpu.memref_squeeze %dma_wait3A_458 : memref<1x128x64xf32, #tpu.memory_space<vmem>> -> memref<128x64xf32, #tpu.memory_space<vmem>>
    %dma_wait3A_460 = arith.constant 256 : i32
    %dma_wait3A_461 = tpu.memref_slice %arg6[%dma_wait3A_454, %dma_wait3A_460] : memref<2x640xi32, #tpu.memory_space<vmem>> -> memref<1x128xi32, #tpu.memory_space<vmem>>
    %dma_wait3A_462 = tpu.memref_squeeze %dma_wait3A_461 : memref<1x128xi32, #tpu.memory_space<vmem>> -> memref<128xi32, #tpu.memory_space<vmem>>
    %dma_wait3A_463 = arith.constant 0 : i32
    %dma_wait3A_464 = arith.constant 0 : i32
    %dma_wait3A_465 = tpu.memref_slice %arg5[%dma_wait3A_463, %dma_wait3A_464] : memref<1000x64xf32, #tpu.memory_space<vmem_shared>> -> memref<1000x64xf32, #tpu.memory_space<vmem_shared>>
    tpu.wait_indirect_dma semaphore(%arg10 : memref<!tpu.dma_semaphore, #tpu.memory_space<semaphore_mem>>) src(%dma_wait3A_465 : memref<1000x64xf32, #tpu.memory_space<vmem_shared>>) dst(%dma_wait3A_459 : memref<128x64xf32, #tpu.memory_space<vmem>>)
    %dma_wait3A_466 = arith.constant 0 : i32
    %dma_wait3A_467 = arith.constant 0 : i32
    %dma_wait3A_468 = arith.constant 384 : i32
    %dma_wait3A_469 = arith.constant 0 : i32
    %dma_wait3A_470 = tpu.memref_slice %arg7[%dma_wait3A_467, %dma_wait3A_468, %dma_wait3A_469] : memref<2x640x64xf32, #tpu.memory_space<vmem>> -> memref<1x128x64xf32, #tpu.memory_space<vmem>>
    %dma_wait3A_471 = tpu.memref_squeeze %dma_wait3A_470 : memref<1x128x64xf32, #tpu.memory_space<vmem>> -> memref<128x64xf32, #tpu.memory_space<vmem>>
    %dma_wait3A_472 = arith.constant 384 : i32
    %dma_wait3A_473 = tpu.memref_slice %arg6[%dma_wait3A_466, %dma_wait3A_472] : memref<2x640xi32, #tpu.memory_space<vmem>> -> memref<1x128xi32, #tpu.memory_space<vmem>>
    %dma_wait3A_474 = tpu.memref_squeeze %dma_wait3A_473 : memref<1x128xi32, #tpu.memory_space<vmem>> -> memref<128xi32, #tpu.memory_space<vmem>>
    %dma_wait3A_475 = arith.constant 0 : i32
    %dma_wait3A_476 = arith.constant 0 : i32
    %dma_wait3A_477 = tpu.memref_slice %arg5[%dma_wait3A_475, %dma_wait3A_476] : memref<1000x64xf32, #tpu.memory_space<vmem_shared>> -> memref<1000x64xf32, #tpu.memory_space<vmem_shared>>
    tpu.wait_indirect_dma semaphore(%arg10 : memref<!tpu.dma_semaphore, #tpu.memory_space<semaphore_mem>>) src(%dma_wait3A_477 : memref<1000x64xf32, #tpu.memory_space<vmem_shared>>) dst(%dma_wait3A_471 : memref<128x64xf32, #tpu.memory_space<vmem>>)
    %dma_wait3A_478 = arith.constant 0 : i32
    %dma_wait3A_479 = arith.constant 0 : i32
    %dma_wait3A_480 = arith.constant 512 : i32
    %dma_wait3A_481 = arith.constant 0 : i32
    %dma_wait3A_482 = tpu.memref_slice %arg7[%dma_wait3A_479, %dma_wait3A_480, %dma_wait3A_481] : memref<2x640x64xf32, #tpu.memory_space<vmem>> -> memref<1x128x64xf32, #tpu.memory_space<vmem>>
    %dma_wait3A_483 = tpu.memref_squeeze %dma_wait3A_482 : memref<1x128x64xf32, #tpu.memory_space<vmem>> -> memref<128x64xf32, #tpu.memory_space<vmem>>
    %dma_wait3A_484 = arith.constant 512 : i32
    %dma_wait3A_485 = tpu.memref_slice %arg6[%dma_wait3A_478, %dma_wait3A_484] : memref<2x640xi32, #tpu.memory_space<vmem>> -> memref<1x128xi32, #tpu.memory_space<vmem>>
    %dma_wait3A_486 = tpu.memref_squeeze %dma_wait3A_485 : memref<1x128xi32, #tpu.memory_space<vmem>> -> memref<128xi32, #tpu.memory_space<vmem>>
    %dma_wait3A_487 = arith.constant 0 : i32
    %dma_wait3A_488 = arith.constant 0 : i32
    %dma_wait3A_489 = tpu.memref_slice %arg5[%dma_wait3A_487, %dma_wait3A_488] : memref<1000x64xf32, #tpu.memory_space<vmem_shared>> -> memref<1000x64xf32, #tpu.memory_space<vmem_shared>>
    tpu.wait_indirect_dma semaphore(%arg10 : memref<!tpu.dma_semaphore, #tpu.memory_space<semaphore_mem>>) src(%dma_wait3A_489 : memref<1000x64xf32, #tpu.memory_space<vmem_shared>>) dst(%dma_wait3A_483 : memref<128x64xf32, #tpu.memory_space<vmem>>)
    %add3A_490 = arith.constant 101120 : i32
    %add3A_491 = arith.addi %mul3A_2, %add3A_490 : i32
    %dma_start3A_492 = arith.constant 0 : i32
    %dma_start3A_493 = arith.constant 0 : i32
    %dma_start3A_494 = arith.constant 0 : i32
    %dma_start3A_495 = tpu.memref_slice %arg7[%dma_start3A_492, %dma_start3A_493, %dma_start3A_494] : memref<2x640x64xf32, #tpu.memory_space<vmem>> -> memref<1x640x64xf32, #tpu.memory_space<vmem>>
    %dma_start3A_496 = tpu.memref_squeeze %dma_start3A_495 : memref<1x640x64xf32, #tpu.memory_space<vmem>> -> memref<640x64xf32, #tpu.memory_space<vmem>>
    %dma_start3A_497 = arith.constant 0 : i32
    %dma_start3A_498 = tpu.memref_slice %arg4[%add3A_491, %dma_start3A_497] : memref<3276800x64xf32, #tpu.memory_space<hbm>> -> memref<640x64xf32, #tpu.memory_space<hbm>>
    %dma_start3A_499 = arith.constant 0 : i32
    %dma_start3A_500 = tpu.memref_slice %arg4[%add3A_491, %dma_start3A_499] : memref<3276800x64xf32, #tpu.memory_space<hbm>> -> memref<640x64xf32, #tpu.memory_space<hbm>>
    %dma_start3A_501 = arith.constant 0 : i32
    %dma_start3A_502 = arith.constant 0 : i32
    %dma_start3A_503 = tpu.memref_slice %arg7[%dma_start3A_492, %dma_start3A_501, %dma_start3A_502] : memref<2x640x64xf32, #tpu.memory_space<vmem>> -> memref<1x640x64xf32, #tpu.memory_space<vmem>>
    %dma_start3A_504 = tpu.memref_squeeze %dma_start3A_503 : memref<1x640x64xf32, #tpu.memory_space<vmem>> -> memref<640x64xf32, #tpu.memory_space<vmem>>
    tpu.enqueue_dma source(%dma_start3A_504 : memref<640x64xf32, #tpu.memory_space<vmem>>) target(%dma_start3A_500 : memref<640x64xf32, #tpu.memory_space<hbm>>) target_semaphore(%arg12 : memref<!tpu.dma_semaphore, #tpu.memory_space<semaphore_mem>>)
    %add3A_505 = arith.constant 101760 : i32
    %add3A_506 = arith.addi %mul3A_2, %add3A_505 : i32
    %dma_wait3A_507 = arith.constant 1 : i32
    %dma_wait3A_508 = arith.constant 0 : i32
    %dma_wait3A_509 = tpu.memref_slice %arg6[%dma_wait3A_507, %dma_wait3A_508] : memref<2x640xi32, #tpu.memory_space<vmem>> -> memref<1x640xi32, #tpu.memory_space<vmem>>
    %dma_wait3A_510 = tpu.memref_squeeze %dma_wait3A_509 : memref<1x640xi32, #tpu.memory_space<vmem>> -> memref<640xi32, #tpu.memory_space<vmem>>
    %dma_wait3A_511 = tpu.memref_slice %arg2[%add3A_506] : memref<3276800xi32, #tpu.memory_space<hbm>> -> memref<640xi32, #tpu.memory_space<hbm>>
    %dma_wait3A_512 = arith.constant 0 : i32
    %dma_wait3A_513 = tpu.memref_slice %arg6[%dma_wait3A_507, %dma_wait3A_512] : memref<2x640xi32, #tpu.memory_space<vmem>> -> memref<1x640xi32, #tpu.memory_space<vmem>>
    %dma_wait3A_514 = tpu.memref_squeeze %dma_wait3A_513 : memref<1x640xi32, #tpu.memory_space<vmem>> -> memref<640xi32, #tpu.memory_space<vmem>>
    %dma_wait3A_515 = tpu.memref_slice %arg2[%add3A_506] : memref<3276800xi32, #tpu.memory_space<hbm>> -> memref<640xi32, #tpu.memory_space<hbm>>
    tpu.wait_dma2 semaphore(%arg9 : memref<!tpu.dma_semaphore, #tpu.memory_space<semaphore_mem>>) src(%dma_wait3A_515 : memref<640xi32, #tpu.memory_space<hbm>>) dst(%dma_wait3A_514 : memref<640xi32, #tpu.memory_space<vmem>>)
    %add3A_516 = arith.constant 100480 : i32
    %add3A_517 = arith.addi %mul3A_2, %add3A_516 : i32
    %dma_wait3A_518 = arith.constant 1 : i32
    %dma_wait3A_519 = arith.constant 0 : i32
    %dma_wait3A_520 = arith.constant 0 : i32
    %dma_wait3A_521 = tpu.memref_slice %arg7[%dma_wait3A_518, %dma_wait3A_519, %dma_wait3A_520] : memref<2x640x64xf32, #tpu.memory_space<vmem>> -> memref<1x640x64xf32, #tpu.memory_space<vmem>>
    %dma_wait3A_522 = tpu.memref_squeeze %dma_wait3A_521 : memref<1x640x64xf32, #tpu.memory_space<vmem>> -> memref<640x64xf32, #tpu.memory_space<vmem>>
    %dma_wait3A_523 = arith.constant 0 : i32
    %dma_wait3A_524 = tpu.memref_slice %arg4[%add3A_517, %dma_wait3A_523] : memref<3276800x64xf32, #tpu.memory_space<hbm>> -> memref<640x64xf32, #tpu.memory_space<hbm>>
    %dma_wait3A_525 = arith.constant 0 : i32
    %dma_wait3A_526 = tpu.memref_slice %arg4[%add3A_517, %dma_wait3A_525] : memref<3276800x64xf32, #tpu.memory_space<hbm>> -> memref<640x64xf32, #tpu.memory_space<hbm>>
    %dma_wait3A_527 = arith.constant 0 : i32
    %dma_wait3A_528 = arith.constant 0 : i32
    %dma_wait3A_529 = tpu.memref_slice %arg7[%dma_wait3A_518, %dma_wait3A_527, %dma_wait3A_528] : memref<2x640x64xf32, #tpu.memory_space<vmem>> -> memref<1x640x64xf32, #tpu.memory_space<vmem>>
    %dma_wait3A_530 = tpu.memref_squeeze %dma_wait3A_529 : memref<1x640x64xf32, #tpu.memory_space<vmem>> -> memref<640x64xf32, #tpu.memory_space<vmem>>
    tpu.wait_dma2 semaphore(%arg13 : memref<!tpu.dma_semaphore, #tpu.memory_space<semaphore_mem>>) src(%dma_wait3A_530 : memref<640x64xf32, #tpu.memory_space<vmem>>) dst(%dma_wait3A_526 : memref<640x64xf32, #tpu.memory_space<hbm>>)
    %dma_start3A_531 = arith.constant 1 : i32
    %dma_start3A_532 = arith.constant 1 : i32
    %dma_start3A_533 = arith.constant 0 : i32
    %dma_start3A_534 = arith.constant 0 : i32
    %dma_start3A_535 = tpu.memref_slice %arg7[%dma_start3A_532, %dma_start3A_533, %dma_start3A_534] : memref<2x640x64xf32, #tpu.memory_space<vmem>> -> memref<1x128x64xf32, #tpu.memory_space<vmem>>
    %dma_start3A_536 = tpu.memref_squeeze %dma_start3A_535 : memref<1x128x64xf32, #tpu.memory_space<vmem>> -> memref<128x64xf32, #tpu.memory_space<vmem>>
    %dma_start3A_537 = arith.constant 0 : i32
    %dma_start3A_538 = tpu.memref_slice %arg6[%dma_start3A_531, %dma_start3A_537] : memref<2x640xi32, #tpu.memory_space<vmem>> -> memref<1x128xi32, #tpu.memory_space<vmem>>
    %dma_start3A_539 = tpu.memref_squeeze %dma_start3A_538 : memref<1x128xi32, #tpu.memory_space<vmem>> -> memref<128xi32, #tpu.memory_space<vmem>>
    %dma_start3A_540 = arith.constant 0 : i32
    %dma_start3A_541 = arith.constant 0 : i32
    %dma_start3A_542 = tpu.memref_slice %arg5[%dma_start3A_540, %dma_start3A_541] : memref<1000x64xf32, #tpu.memory_space<vmem_shared>> -> memref<1000x64xf32, #tpu.memory_space<vmem_shared>>
    tpu.enqueue_indirect_dma source(%dma_start3A_542 : memref<1000x64xf32, #tpu.memory_space<vmem_shared>>) target(%dma_start3A_536 : memref<128x64xf32, #tpu.memory_space<vmem>>) offsets(%dma_start3A_539 : memref<128xi32, #tpu.memory_space<vmem>>) semaphore(%arg11 : memref<!tpu.dma_semaphore, #tpu.memory_space<semaphore_mem>>)
    %dma_start3A_543 = arith.constant 1 : i32
    %dma_start3A_544 = arith.constant 1 : i32
    %dma_start3A_545 = arith.constant 128 : i32
    %dma_start3A_546 = arith.constant 0 : i32
    %dma_start3A_547 = tpu.memref_slice %arg7[%dma_start3A_544, %dma_start3A_545, %dma_start3A_546] : memref<2x640x64xf32, #tpu.memory_space<vmem>> -> memref<1x128x64xf32, #tpu.memory_space<vmem>>
    %dma_start3A_548 = tpu.memref_squeeze %dma_start3A_547 : memref<1x128x64xf32, #tpu.memory_space<vmem>> -> memref<128x64xf32, #tpu.memory_space<vmem>>
    %dma_start3A_549 = arith.constant 128 : i32
    %dma_start3A_550 = tpu.memref_slice %arg6[%dma_start3A_543, %dma_start3A_549] : memref<2x640xi32, #tpu.memory_space<vmem>> -> memref<1x128xi32, #tpu.memory_space<vmem>>
    %dma_start3A_551 = tpu.memref_squeeze %dma_start3A_550 : memref<1x128xi32, #tpu.memory_space<vmem>> -> memref<128xi32, #tpu.memory_space<vmem>>
    %dma_start3A_552 = arith.constant 0 : i32
    %dma_start3A_553 = arith.constant 0 : i32
    %dma_start3A_554 = tpu.memref_slice %arg5[%dma_start3A_552, %dma_start3A_553] : memref<1000x64xf32, #tpu.memory_space<vmem_shared>> -> memref<1000x64xf32, #tpu.memory_space<vmem_shared>>
    tpu.enqueue_indirect_dma source(%dma_start3A_554 : memref<1000x64xf32, #tpu.memory_space<vmem_shared>>) target(%dma_start3A_548 : memref<128x64xf32, #tpu.memory_space<vmem>>) offsets(%dma_start3A_551 : memref<128xi32, #tpu.memory_space<vmem>>) semaphore(%arg11 : memref<!tpu.dma_semaphore, #tpu.memory_space<semaphore_mem>>)
    %dma_start3A_555 = arith.constant 1 : i32
    %dma_start3A_556 = arith.constant 1 : i32
    %dma_start3A_557 = arith.constant 256 : i32
    %dma_start3A_558 = arith.constant 0 : i32
    %dma_start3A_559 = tpu.memref_slice %arg7[%dma_start3A_556, %dma_start3A_557, %dma_start3A_558] : memref<2x640x64xf32, #tpu.memory_space<vmem>> -> memref<1x128x64xf32, #tpu.memory_space<vmem>>
    %dma_start3A_560 = tpu.memref_squeeze %dma_start3A_559 : memref<1x128x64xf32, #tpu.memory_space<vmem>> -> memref<128x64xf32, #tpu.memory_space<vmem>>
    %dma_start3A_561 = arith.constant 256 : i32
    %dma_start3A_562 = tpu.memref_slice %arg6[%dma_start3A_555, %dma_start3A_561] : memref<2x640xi32, #tpu.memory_space<vmem>> -> memref<1x128xi32, #tpu.memory_space<vmem>>
    %dma_start3A_563 = tpu.memref_squeeze %dma_start3A_562 : memref<1x128xi32, #tpu.memory_space<vmem>> -> memref<128xi32, #tpu.memory_space<vmem>>
    %dma_start3A_564 = arith.constant 0 : i32
    %dma_start3A_565 = arith.constant 0 : i32
    %dma_start3A_566 = tpu.memref_slice %arg5[%dma_start3A_564, %dma_start3A_565] : memref<1000x64xf32, #tpu.memory_space<vmem_shared>> -> memref<1000x64xf32, #tpu.memory_space<vmem_shared>>
    tpu.enqueue_indirect_dma source(%dma_start3A_566 : memref<1000x64xf32, #tpu.memory_space<vmem_shared>>) target(%dma_start3A_560 : memref<128x64xf32, #tpu.memory_space<vmem>>) offsets(%dma_start3A_563 : memref<128xi32, #tpu.memory_space<vmem>>) semaphore(%arg11 : memref<!tpu.dma_semaphore, #tpu.memory_space<semaphore_mem>>)
    %dma_start3A_567 = arith.constant 1 : i32
    %dma_start3A_568 = arith.constant 1 : i32
    %dma_start3A_569 = arith.constant 384 : i32
    %dma_start3A_570 = arith.constant 0 : i32
    %dma_start3A_571 = tpu.memref_slice %arg7[%dma_start3A_568, %dma_start3A_569, %dma_start3A_570] : memref<2x640x64xf32, #tpu.memory_space<vmem>> -> memref<1x128x64xf32, #tpu.memory_space<vmem>>
    %dma_start3A_572 = tpu.memref_squeeze %dma_start3A_571 : memref<1x128x64xf32, #tpu.memory_space<vmem>> -> memref<128x64xf32, #tpu.memory_space<vmem>>
    %dma_start3A_573 = arith.constant 384 : i32
    %dma_start3A_574 = tpu.memref_slice %arg6[%dma_start3A_567, %dma_start3A_573] : memref<2x640xi32, #tpu.memory_space<vmem>> -> memref<1x128xi32, #tpu.memory_space<vmem>>
    %dma_start3A_575 = tpu.memref_squeeze %dma_start3A_574 : memref<1x128xi32, #tpu.memory_space<vmem>> -> memref<128xi32, #tpu.memory_space<vmem>>
    %dma_start3A_576 = arith.constant 0 : i32
    %dma_start3A_577 = arith.constant 0 : i32
    %dma_start3A_578 = tpu.memref_slice %arg5[%dma_start3A_576, %dma_start3A_577] : memref<1000x64xf32, #tpu.memory_space<vmem_shared>> -> memref<1000x64xf32, #tpu.memory_space<vmem_shared>>
    tpu.enqueue_indirect_dma source(%dma_start3A_578 : memref<1000x64xf32, #tpu.memory_space<vmem_shared>>) target(%dma_start3A_572 : memref<128x64xf32, #tpu.memory_space<vmem>>) offsets(%dma_start3A_575 : memref<128xi32, #tpu.memory_space<vmem>>) semaphore(%arg11 : memref<!tpu.dma_semaphore, #tpu.memory_space<semaphore_mem>>)
    %dma_start3A_579 = arith.constant 1 : i32
    %dma_start3A_580 = arith.constant 1 : i32
    %dma_start3A_581 = arith.constant 512 : i32
    %dma_start3A_582 = arith.constant 0 : i32
    %dma_start3A_583 = tpu.memref_slice %arg7[%dma_start3A_580, %dma_start3A_581, %dma_start3A_582] : memref<2x640x64xf32, #tpu.memory_space<vmem>> -> memref<1x128x64xf32, #tpu.memory_space<vmem>>
    %dma_start3A_584 = tpu.memref_squeeze %dma_start3A_583 : memref<1x128x64xf32, #tpu.memory_space<vmem>> -> memref<128x64xf32, #tpu.memory_space<vmem>>
    %dma_start3A_585 = arith.constant 512 : i32
    %dma_start3A_586 = tpu.memref_slice %arg6[%dma_start3A_579, %dma_start3A_585] : memref<2x640xi32, #tpu.memory_space<vmem>> -> memref<1x128xi32, #tpu.memory_space<vmem>>
    %dma_start3A_587 = tpu.memref_squeeze %dma_start3A_586 : memref<1x128xi32, #tpu.memory_space<vmem>> -> memref<128xi32, #tpu.memory_space<vmem>>
    %dma_start3A_588 = arith.constant 0 : i32
    %dma_start3A_589 = arith.constant 0 : i32
    %dma_start3A_590 = tpu.memref_slice %arg5[%dma_start3A_588, %dma_start3A_589] : memref<1000x64xf32, #tpu.memory_space<vmem_shared>> -> memref<1000x64xf32, #tpu.memory_space<vmem_shared>>
    tpu.enqueue_indirect_dma source(%dma_start3A_590 : memref<1000x64xf32, #tpu.memory_space<vmem_shared>>) target(%dma_start3A_584 : memref<128x64xf32, #tpu.memory_space<vmem>>) offsets(%dma_start3A_587 : memref<128xi32, #tpu.memory_space<vmem>>) semaphore(%arg11 : memref<!tpu.dma_semaphore, #tpu.memory_space<semaphore_mem>>)
    %dma_wait3A_591 = arith.constant 1 : i32
    %dma_wait3A_592 = arith.constant 1 : i32
    %dma_wait3A_593 = arith.constant 0 : i32
    %dma_wait3A_594 = arith.constant 0 : i32
    %dma_wait3A_595 = tpu.memref_slice %arg7[%dma_wait3A_592, %dma_wait3A_593, %dma_wait3A_594] : memref<2x640x64xf32, #tpu.memory_space<vmem>> -> memref<1x128x64xf32, #tpu.memory_space<vmem>>
    %dma_wait3A_596 = tpu.memref_squeeze %dma_wait3A_595 : memref<1x128x64xf32, #tpu.memory_space<vmem>> -> memref<128x64xf32, #tpu.memory_space<vmem>>
    %dma_wait3A_597 = arith.constant 0 : i32
    %dma_wait3A_598 = tpu.memref_slice %arg6[%dma_wait3A_591, %dma_wait3A_597] : memref<2x640xi32, #tpu.memory_space<vmem>> -> memref<1x128xi32, #tpu.memory_space<vmem>>
    %dma_wait3A_599 = tpu.memref_squeeze %dma_wait3A_598 : memref<1x128xi32, #tpu.memory_space<vmem>> -> memref<128xi32, #tpu.memory_space<vmem>>
    %dma_wait3A_600 = arith.constant 0 : i32
    %dma_wait3A_601 = arith.constant 0 : i32
    %dma_wait3A_602 = tpu.memref_slice %arg5[%dma_wait3A_600, %dma_wait3A_601] : memref<1000x64xf32, #tpu.memory_space<vmem_shared>> -> memref<1000x64xf32, #tpu.memory_space<vmem_shared>>
    tpu.wait_indirect_dma semaphore(%arg11 : memref<!tpu.dma_semaphore, #tpu.memory_space<semaphore_mem>>) src(%dma_wait3A_602 : memref<1000x64xf32, #tpu.memory_space<vmem_shared>>) dst(%dma_wait3A_596 : memref<128x64xf32, #tpu.memory_space<vmem>>)
    %dma_wait3A_603 = arith.constant 1 : i32
    %dma_wait3A_604 = arith.constant 1 : i32
    %dma_wait3A_605 = arith.constant 128 : i32
    %dma_wait3A_606 = arith.constant 0 : i32
    %dma_wait3A_607 = tpu.memref_slice %arg7[%dma_wait3A_604, %dma_wait3A_605, %dma_wait3A_606] : memref<2x640x64xf32, #tpu.memory_space<vmem>> -> memref<1x128x64xf32, #tpu.memory_space<vmem>>
    %dma_wait3A_608 = tpu.memref_squeeze %dma_wait3A_607 : memref<1x128x64xf32, #tpu.memory_space<vmem>> -> memref<128x64xf32, #tpu.memory_space<vmem>>
    %dma_wait3A_609 = arith.constant 128 : i32
    %dma_wait3A_610 = tpu.memref_slice %arg6[%dma_wait3A_603, %dma_wait3A_609] : memref<2x640xi32, #tpu.memory_space<vmem>> -> memref<1x128xi32, #tpu.memory_space<vmem>>
    %dma_wait3A_611 = tpu.memref_squeeze %dma_wait3A_610 : memref<1x128xi32, #tpu.memory_space<vmem>> -> memref<128xi32, #tpu.memory_space<vmem>>
    %dma_wait3A_612 = arith.constant 0 : i32
    %dma_wait3A_613 = arith.constant 0 : i32
    %dma_wait3A_614 = tpu.memref_slice %arg5[%dma_wait3A_612, %dma_wait3A_613] : memref<1000x64xf32, #tpu.memory_space<vmem_shared>> -> memref<1000x64xf32, #tpu.memory_space<vmem_shared>>
    tpu.wait_indirect_dma semaphore(%arg11 : memref<!tpu.dma_semaphore, #tpu.memory_space<semaphore_mem>>) src(%dma_wait3A_614 : memref<1000x64xf32, #tpu.memory_space<vmem_shared>>) dst(%dma_wait3A_608 : memref<128x64xf32, #tpu.memory_space<vmem>>)
    %dma_wait3A_615 = arith.constant 1 : i32
    %dma_wait3A_616 = arith.constant 1 : i32
    %dma_wait3A_617 = arith.constant 256 : i32
    %dma_wait3A_618 = arith.constant 0 : i32
    %dma_wait3A_619 = tpu.memref_slice %arg7[%dma_wait3A_616, %dma_wait3A_617, %dma_wait3A_618] : memref<2x640x64xf32, #tpu.memory_space<vmem>> -> memref<1x128x64xf32, #tpu.memory_space<vmem>>
    %dma_wait3A_620 = tpu.memref_squeeze %dma_wait3A_619 : memref<1x128x64xf32, #tpu.memory_space<vmem>> -> memref<128x64xf32, #tpu.memory_space<vmem>>
    %dma_wait3A_621 = arith.constant 256 : i32
    %dma_wait3A_622 = tpu.memref_slice %arg6[%dma_wait3A_615, %dma_wait3A_621] : memref<2x640xi32, #tpu.memory_space<vmem>> -> memref<1x128xi32, #tpu.memory_space<vmem>>
    %dma_wait3A_623 = tpu.memref_squeeze %dma_wait3A_622 : memref<1x128xi32, #tpu.memory_space<vmem>> -> memref<128xi32, #tpu.memory_space<vmem>>
    %dma_wait3A_624 = arith.constant 0 : i32
    %dma_wait3A_625 = arith.constant 0 : i32
    %dma_wait3A_626 = tpu.memref_slice %arg5[%dma_wait3A_624, %dma_wait3A_625] : memref<1000x64xf32, #tpu.memory_space<vmem_shared>> -> memref<1000x64xf32, #tpu.memory_space<vmem_shared>>
    tpu.wait_indirect_dma semaphore(%arg11 : memref<!tpu.dma_semaphore, #tpu.memory_space<semaphore_mem>>) src(%dma_wait3A_626 : memref<1000x64xf32, #tpu.memory_space<vmem_shared>>) dst(%dma_wait3A_620 : memref<128x64xf32, #tpu.memory_space<vmem>>)
    %dma_wait3A_627 = arith.constant 1 : i32
    %dma_wait3A_628 = arith.constant 1 : i32
    %dma_wait3A_629 = arith.constant 384 : i32
    %dma_wait3A_630 = arith.constant 0 : i32
    %dma_wait3A_631 = tpu.memref_slice %arg7[%dma_wait3A_628, %dma_wait3A_629, %dma_wait3A_630] : memref<2x640x64xf32, #tpu.memory_space<vmem>> -> memref<1x128x64xf32, #tpu.memory_space<vmem>>
    %dma_wait3A_632 = tpu.memref_squeeze %dma_wait3A_631 : memref<1x128x64xf32, #tpu.memory_space<vmem>> -> memref<128x64xf32, #tpu.memory_space<vmem>>
    %dma_wait3A_633 = arith.constant 384 : i32
    %dma_wait3A_634 = tpu.memref_slice %arg6[%dma_wait3A_627, %dma_wait3A_633] : memref<2x640xi32, #tpu.memory_space<vmem>> -> memref<1x128xi32, #tpu.memory_space<vmem>>
    %dma_wait3A_635 = tpu.memref_squeeze %dma_wait3A_634 : memref<1x128xi32, #tpu.memory_space<vmem>> -> memref<128xi32, #tpu.memory_space<vmem>>
    %dma_wait3A_636 = arith.constant 0 : i32
    %dma_wait3A_637 = arith.constant 0 : i32
    %dma_wait3A_638 = tpu.memref_slice %arg5[%dma_wait3A_636, %dma_wait3A_637] : memref<1000x64xf32, #tpu.memory_space<vmem_shared>> -> memref<1000x64xf32, #tpu.memory_space<vmem_shared>>
    tpu.wait_indirect_dma semaphore(%arg11 : memref<!tpu.dma_semaphore, #tpu.memory_space<semaphore_mem>>) src(%dma_wait3A_638 : memref<1000x64xf32, #tpu.memory_space<vmem_shared>>) dst(%dma_wait3A_632 : memref<128x64xf32, #tpu.memory_space<vmem>>)
    %dma_wait3A_639 = arith.constant 1 : i32
    %dma_wait3A_640 = arith.constant 1 : i32
    %dma_wait3A_641 = arith.constant 512 : i32
    %dma_wait3A_642 = arith.constant 0 : i32
    %dma_wait3A_643 = tpu.memref_slice %arg7[%dma_wait3A_640, %dma_wait3A_641, %dma_wait3A_642] : memref<2x640x64xf32, #tpu.memory_space<vmem>> -> memref<1x128x64xf32, #tpu.memory_space<vmem>>
    %dma_wait3A_644 = tpu.memref_squeeze %dma_wait3A_643 : memref<1x128x64xf32, #tpu.memory_space<vmem>> -> memref<128x64xf32, #tpu.memory_space<vmem>>
    %dma_wait3A_645 = arith.constant 512 : i32
    %dma_wait3A_646 = tpu.memref_slice %arg6[%dma_wait3A_639, %dma_wait3A_645] : memref<2x640xi32, #tpu.memory_space<vmem>> -> memref<1x128xi32, #tpu.memory_space<vmem>>
    %dma_wait3A_647 = tpu.memref_squeeze %dma_wait3A_646 : memref<1x128xi32, #tpu.memory_space<vmem>> -> memref<128xi32, #tpu.memory_space<vmem>>
    %dma_wait3A_648 = arith.constant 0 : i32
    %dma_wait3A_649 = arith.constant 0 : i32
    %dma_wait3A_650 = tpu.memref_slice %arg5[%dma_wait3A_648, %dma_wait3A_649] : memref<1000x64xf32, #tpu.memory_space<vmem_shared>> -> memref<1000x64xf32, #tpu.memory_space<vmem_shared>>
    tpu.wait_indirect_dma semaphore(%arg11 : memref<!tpu.dma_semaphore, #tpu.memory_space<semaphore_mem>>) src(%dma_wait3A_650 : memref<1000x64xf32, #tpu.memory_space<vmem_shared>>) dst(%dma_wait3A_644 : memref<128x64xf32, #tpu.memory_space<vmem>>)
    %add3A_651 = arith.constant 101760 : i32
    %add3A_652 = arith.addi %mul3A_2, %add3A_651 : i32
    %dma_start3A_653 = arith.constant 1 : i32
    %dma_start3A_654 = arith.constant 0 : i32
    %dma_start3A_655 = arith.constant 0 : i32
    %dma_start3A_656 = tpu.memref_slice %arg7[%dma_start3A_653, %dma_start3A_654, %dma_start3A_655] : memref<2x640x64xf32, #tpu.memory_space<vmem>> -> memref<1x640x64xf32, #tpu.memory_space<vmem>>
    %dma_start3A_657 = tpu.memref_squeeze %dma_start3A_656 : memref<1x640x64xf32, #tpu.memory_space<vmem>> -> memref<640x64xf32, #tpu.memory_space<vmem>>
    %dma_start3A_658 = arith.constant 0 : i32
    %dma_start3A_659 = tpu.memref_slice %arg4[%add3A_652, %dma_start3A_658] : memref<3276800x64xf32, #tpu.memory_space<hbm>> -> memref<640x64xf32, #tpu.memory_space<hbm>>
    %dma_start3A_660 = arith.constant 0 : i32
    %dma_start3A_661 = tpu.memref_slice %arg4[%add3A_652, %dma_start3A_660] : memref<3276800x64xf32, #tpu.memory_space<hbm>> -> memref<640x64xf32, #tpu.memory_space<hbm>>
    %dma_start3A_662 = arith.constant 0 : i32
    %dma_start3A_663 = arith.constant 0 : i32
    %dma_start3A_664 = tpu.memref_slice %arg7[%dma_start3A_653, %dma_start3A_662, %dma_start3A_663] : memref<2x640x64xf32, #tpu.memory_space<vmem>> -> memref<1x640x64xf32, #tpu.memory_space<vmem>>
    %dma_start3A_665 = tpu.memref_squeeze %dma_start3A_664 : memref<1x640x64xf32, #tpu.memory_space<vmem>> -> memref<640x64xf32, #tpu.memory_space<vmem>>
    tpu.enqueue_dma source(%dma_start3A_665 : memref<640x64xf32, #tpu.memory_space<vmem>>) target(%dma_start3A_661 : memref<640x64xf32, #tpu.memory_space<hbm>>) target_semaphore(%arg13 : memref<!tpu.dma_semaphore, #tpu.memory_space<semaphore_mem>>)
    %add3A_666 = arith.constant 101120 : i32
    %add3A_667 = arith.addi %mul3A_2, %add3A_666 : i32
    %dma_wait3A_668 = arith.constant 0 : i32
    %dma_wait3A_669 = arith.constant 0 : i32
    %dma_wait3A_670 = arith.constant 0 : i32
    %dma_wait3A_671 = tpu.memref_slice %arg7[%dma_wait3A_668, %dma_wait3A_669, %dma_wait3A_670] : memref<2x640x64xf32, #tpu.memory_space<vmem>> -> memref<1x640x64xf32, #tpu.memory_space<vmem>>
    %dma_wait3A_672 = tpu.memref_squeeze %dma_wait3A_671 : memref<1x640x64xf32, #tpu.memory_space<vmem>> -> memref<640x64xf32, #tpu.memory_space<vmem>>
    %dma_wait3A_673 = arith.constant 0 : i32
    %dma_wait3A_674 = tpu.memref_slice %arg4[%add3A_667, %dma_wait3A_673] : memref<3276800x64xf32, #tpu.memory_space<hbm>> -> memref<640x64xf32, #tpu.memory_space<hbm>>
    %dma_wait3A_675 = arith.constant 0 : i32
    %dma_wait3A_676 = tpu.memref_slice %arg4[%add3A_667, %dma_wait3A_675] : memref<3276800x64xf32, #tpu.memory_space<hbm>> -> memref<640x64xf32, #tpu.memory_space<hbm>>
    %dma_wait3A_677 = arith.constant 0 : i32
    %dma_wait3A_678 = arith.constant 0 : i32
    %dma_wait3A_679 = tpu.memref_slice %arg7[%dma_wait3A_668, %dma_wait3A_677, %dma_wait3A_678] : memref<2x640x64xf32, #tpu.memory_space<vmem>> -> memref<1x640x64xf32, #tpu.memory_space<vmem>>
    %dma_wait3A_680 = tpu.memref_squeeze %dma_wait3A_679 : memref<1x640x64xf32, #tpu.memory_space<vmem>> -> memref<640x64xf32, #tpu.memory_space<vmem>>
    tpu.wait_dma2 semaphore(%arg12 : memref<!tpu.dma_semaphore, #tpu.memory_space<semaphore_mem>>) src(%dma_wait3A_680 : memref<640x64xf32, #tpu.memory_space<vmem>>) dst(%dma_wait3A_676 : memref<640x64xf32, #tpu.memory_space<hbm>>)
    %add3A_681 = arith.constant 101760 : i32
    %add3A_682 = arith.addi %mul3A_2, %add3A_681 : i32
    %dma_wait3A_683 = arith.constant 1 : i32
    %dma_wait3A_684 = arith.constant 0 : i32
    %dma_wait3A_685 = arith.constant 0 : i32
    %dma_wait3A_686 = tpu.memref_slice %arg7[%dma_wait3A_683, %dma_wait3A_684, %dma_wait3A_685] : memref<2x640x64xf32, #tpu.memory_space<vmem>> -> memref<1x640x64xf32, #tpu.memory_space<vmem>>
    %dma_wait3A_687 = tpu.memref_squeeze %dma_wait3A_686 : memref<1x640x64xf32, #tpu.memory_space<vmem>> -> memref<640x64xf32, #tpu.memory_space<vmem>>
    %dma_wait3A_688 = arith.constant 0 : i32
    %dma_wait3A_689 = tpu.memref_slice %arg4[%add3A_682, %dma_wait3A_688] : memref<3276800x64xf32, #tpu.memory_space<hbm>> -> memref<640x64xf32, #tpu.memory_space<hbm>>
    %dma_wait3A_690 = arith.constant 0 : i32
    %dma_wait3A_691 = tpu.memref_slice %arg4[%add3A_682, %dma_wait3A_690] : memref<3276800x64xf32, #tpu.memory_space<hbm>> -> memref<640x64xf32, #tpu.memory_space<hbm>>
    %dma_wait3A_692 = arith.constant 0 : i32
    %dma_wait3A_693 = arith.constant 0 : i32
    %dma_wait3A_694 = tpu.memref_slice %arg7[%dma_wait3A_683, %dma_wait3A_692, %dma_wait3A_693] : memref<2x640x64xf32, #tpu.memory_space<vmem>> -> memref<1x640x64xf32, #tpu.memory_space<vmem>>
    %dma_wait3A_695 = tpu.memref_squeeze %dma_wait3A_694 : memref<1x640x64xf32, #tpu.memory_space<vmem>> -> memref<640x64xf32, #tpu.memory_space<vmem>>
    tpu.wait_dma2 semaphore(%arg13 : memref<!tpu.dma_semaphore, #tpu.memory_space<semaphore_mem>>) src(%dma_wait3A_695 : memref<640x64xf32, #tpu.memory_space<vmem>>) dst(%dma_wait3A_691 : memref<640x64xf32, #tpu.memory_space<hbm>>)
    return
  }
}

</mosaic_0001>

<sc_bundles>
// kernel: kernel.3.cloned.1.call-start
scs
__scs_entry_jumppad:
0x0: {  	(pc) =	sbr.rel $0x88, $3  }
0x1: {  	(tag) =	ssettag $0x0;
	lr =	simm.s32 $0x1  }
0x2: {  	[smem:$0x3F9F] =	sst lr;
	_ =	strace $0xD0000000  }
0x3: {  	_ = 	snop  }
0x4: {  	_ = 	snop  }
0x5: {  	_ = 	snop  }
0x6: {  	_ = 	snop  }
0x7: {  	_ = 	snop  }
__scs_overlays_trampoline_lowered:
0x8: {  	[smem:$0x3FAE] =	sst s0  }
0x9: {  	[smem:$0x3FAF] =	sst s1  }
0xa: {  	[smem:$0x3FB0] =	sst s2  }
0xb: {  	[smem:$0x3FB1] =	sst s3  }
0xc: {  	[smem:$0x3FB2] =	sst s4  }
0xd: {  	[smem:$0x3FB3] =	sst s5  }
0xe: {  	[smem:$0x3FB4] =	sst s6  }
0xf: {  	[smem:$0x3FB5] =	sst s7  }
0x10: {  	[smem:$0x3FB6] =	sst s8  }
0x11: {  	[smem:$0x3FB7] =	sst s9;
	s0 =	simm.s32 @!p0 $0x0  }
0x12: {  	s1 =	sld [smem:$0x3F9D];
	s0 =	simm.s32 @p0 $0x1  }
0x13: {  	[smem:$0x3FB8] =	sst s0;
	s0 =	simm.s32 @!p1 $0x0  }
0x14: {  	s2 =	sld [smem:$0x3F9C];
	s0 =	simm.s32 @p1 $0x1  }
0x15: {  	[smem:$0x3FB9] =	sst s0;
	s0 =	simm.s32 @!p2 $0x0  }
0x16: {  	s3 =	sld [smem:$0x3FDB];
	s0 =	simm.s32 @p2 $0x1  }
0x17: {  	s4 =	simm.s32 $0x1BF5;
	[smem:$0x3FBB] =	sst s0  }
0x18: {  	s0 =	sld [smem:$0x3F9E];
	_ =	swait.ge [sflag:s4], $0x0  }
0x19: {  	s7 =	sld [smem:$0x3F9F]  }
0x1a: {  	s8 =	sadd.s32 $0xFFFFE003, lr  }
0x1b: {  	s9 =	sadd.s32 $0xFFFFFEF7, lr;
	s5 =	simm.s32 $0xFFFFFFFF;
	p2 =	slt.u32 s8, $0xFFFFF086  }
0x1c: {  	p1 =	slt.u32 s9, $0xF7A;
	s5 =	simm.s32 @!p2 $0x0  }
0x1d: {  	s5 =	simm.s32 @p1 $0x1;
	p0 =	seq.s32 s7, s2  }
0x1e: {  	s7 =	smul.u32 @!p0 $0xF7A, s2;
	p2 =	seq.s32 @!p0 s5, $0x0  }
0x1f: {  	s9 =	smul.u32 $0xF7A, s1;
	s8 =	simm.s32 @!p0 $0x1BF5;
	p2 =	por !p2, p0  }
0x20: {  	[sflag:s8] =	ssyncset.s32 @!p0 $0xFFFFF086;
	s6 =	sadd.s32 @!p0 s3, s7;
	s7 =	simm.s32 @!p0 $0x108  }
0x21: {  	s3 =	sadd.s32 s3, s9;
	s6 =	sadd.s32 @!p0 $0x88, s6;
	s7 =	simm.s32 @p2 $0x1082  }
0x22: {  	[simem:s7], [sflag:s8] =	dma.local @!p0 [hbm:s6], $0xF7A  }
0x23: {  	s9 =	sor.u32 $0xD0000000, s2;
	s6 =	simm.s32 $0x108;
	_ =	swait.ge @!p0 [sflag:s8], $0x0  }
0x24: {  	s3 =	sadd.s32 $0x88, s3;
	s6 =	simm.s32 @!p1 $0x1082;
	[sflag:s4] =	ssyncset.s32 $0xFFFFF086  }
0x25: {  	[simem:s6], [sflag:s4] =	dma.local [hbm:s3], $0xF7A  }
0x26: {  	[smem:$0x3F9F] =	sst s1;
	(tag) =	ssettag s2;
	_ =	strace s9  }
0x27: {  	s1 =	sld [smem:$0x3FAF]  }
0x28: {  	s2 =	sld [smem:$0x3FB0]  }
0x29: {  	s4 =	sld [smem:$0x3FB2]  }
0x2a: {  	p0 =	seq.s32 s5, $0x0;
	s5 =	sld [smem:$0x3FB3]  }
0x2b: {  	s6 =	sld [smem:$0x3FB4]  }
0x2c: {  	s7 =	sld [smem:$0x3FB5]  }
0x2d: {  	s3 =	simm.s32 $0x108;
	s8 =	sld [smem:$0x3FB6]  }
0x2e: {  	s3 =	simm.s32 @!p0 $0x1082;
	s9 =	sld [smem:$0x3FB7]  }
0x2f: {  	lr =	sadd.s32 s0, s3;
	s0 =	sld [smem:$0x3FAE]  }
0x30: {  	s3 =	sld [smem:$0x3FB1]  }
0x31: {  	[smem:$0x3FBA] =	sst s10  }
0x32: {  	s10 =	sld [smem:$0x3FB8];
	_ =	sdelay $0x3  }
0x33: {  	p0 =	seq.s32 s10, $0x1;
	s10 =	sld [smem:$0x3FBA];
	_ =	sdelay $0x3  }
0x34: {  	[smem:$0x3FBA] =	sst s10  }
0x35: {  	s10 =	sld [smem:$0x3FB9];
	_ =	sdelay $0x3  }
0x36: {  	p1 =	seq.s32 s10, $0x1;
	s10 =	sld [smem:$0x3FBA];
	_ =	sdelay $0x3  }
0x37: {  	[smem:$0x3FBA] =	sst s10  }
0x38: {  	s10 =	sld [smem:$0x3FBB]  }
0x39: {  	_ = 	snop;
	(pc) =	sbr.ind lr, $3  }
0x3a: {  	_ = 	snop  }
0x3b: {  	_ = 	snop  }
0x3c: {  	p2 =	seq.s32 s10, $0x1;
	s10 =	sld [smem:$0x3FBA]  }
0x3d: {  	_ =	shalt  }
0x3e: {  	_ =	shalt  }
0x3f: {  	_ =	shalt  }
0x40: {  	_ =	shalt  }
0x41: {  	_ =	shalt  }
0x42: {  	_ =	shalt  }
0x43: {  	_ =	shalt  }
0x44: {  	_ =	shalt  }
0x45: {  	_ =	shalt  }
0x46: {  	_ =	shalt  }
0x47: {  	_ =	shalt  }
0x48: {  	_ =	shalt  }
0x49: {  	_ =	shalt  }
0x4a: {  	_ =	shalt  }
0x4b: {  	_ =	shalt  }
0x4c: {  	_ =	shalt  }
0x4d: {  	_ =	shalt  }
0x4e: {  	_ =	shalt  }
0x4f: {  	_ =	shalt  }
0x50: {  	_ =	shalt  }
0x51: {  	_ =	shalt  }
0x52: {  	_ =	shalt  }
0x53: {  	_ =	shalt  }
0x54: {  	_ =	shalt  }
0x55: {  	_ =	shalt  }
0x56: {  	_ =	shalt  }
0x57: {  	_ =	shalt  }
0x58: {  	_ =	shalt  }
0x59: {  	_ =	shalt  }
0x5a: {  	_ =	shalt  }
0x5b: {  	_ =	shalt  }
0x5c: {  	_ =	shalt  }
0x5d: {  	_ =	shalt  }
0x5e: {  	_ =	shalt  }
0x5f: {  	_ =	shalt  }
0x60: {  	_ =	shalt  }
0x61: {  	_ =	shalt  }
0x62: {  	_ =	shalt  }
0x63: {  	_ =	shalt  }
0x64: {  	_ =	shalt  }
0x65: {  	_ =	shalt  }
0x66: {  	_ =	shalt  }
0x67: {  	_ =	shalt  }
0x68: {  	_ =	shalt  }
0x69: {  	_ =	shalt  }
0x6a: {  	_ =	shalt  }
0x6b: {  	_ =	shalt  }
0x6c: {  	_ =	shalt  }
0x6d: {  	_ =	shalt  }
0x6e: {  	_ =	shalt  }
0x6f: {  	_ =	shalt  }
0x70: {  	_ =	shalt  }
0x71: {  	_ =	shalt  }
0x72: {  	_ =	shalt  }
0x73: {  	_ =	shalt  }
0x74: {  	_ =	shalt  }
0x75: {  	_ =	shalt  }
0x76: {  	_ =	shalt  }
0x77: {  	_ =	shalt  }
0x78: {  	_ =	shalt  }
0x79: {  	_ =	shalt  }
0x7a: {  	_ =	shalt  }
0x7b: {  	_ =	shalt  }
0x7c: {  	_ =	shalt  }
0x7d: {  	_ =	shalt  }
0x7e: {  	_ =	shalt  }
0x7f: {  	_ =	shalt  }
0x80: {  	_ =	shalt  }
0x81: {  	_ =	shalt  }
0x82: {  	_ =	shalt  }
0x83: {  	_ =	shalt  }
0x84: {  	_ =	shalt  }
0x85: {  	_ =	shalt  }
0x86: {  	_ =	shalt  }
0x87: {  	_ =	shalt  }
.Lfunc_end0:
.L_simem_size_0:
called_computation.1_lowered:
.L_overlay_start_0:
0x88: {  	s2 =	sld [smem:$0x3FD9]  }
0x89: {  	s3 =	sld [smem:$0x3FFE];
	_ =	sdelay $0x1  }
0x8a: {  	s1 =	srdreg.scid  }
0x8b: {  	s0 =	sand.u32 $0x1, s1  }
0x8c: {  	s17 =	sshll.u32 s0, $0xA;
	s2 =	sadd.s32 s3, s2  }
0x8d: {  	s2 =	sadd.s32 s2, s17  }
0x8e: {  	[smem:$0x3FC6] =	sst s2  }
0x8f: {  	_ = 	snop  }
0x90: {  	s2 =	sld [smem:$0x3FD0];
	(tm) =	ssettm $0x1  }
0x91: {  	s18 =	sld [smem:$0x3FFB];
	_ =	sdelay $0x3  }
0x92: {  	_ =	strace s18  }
0x93: {  	s3 =	sld [smem:$0x3FFC];
	_ =	sdelay $0x3  }
0x94: {  	_ =	strace s3  }
0x95: {  	s3 =	sld [smem:$0x3FFD];
	_ =	sdelay $0x3  }
0x96: {  	_ =	strace s3  }
0x97: {  	_ =	strace $0x8FFFFFFF  }
0x98: {  	s19 =	sld [smem:$0x3FDB];
	_ =	sdelay $0x1  }
0x99: {  	s4 =	simm.s32 $_scs_section_size  }
0x9a: {  	s5 =	simm.s32 $_size__tile_overlayer_lowered;
	s6 =	simm.s32 $_tile_overlayer_lowered  }
0x9b: {  	s22 =	simm.s32 $0x1BFF;
	s21 =	sshll.u32 s6, $0x1;
	s3 =	sadd.s32 s4, s19  }
0x9c: {  	s7 =	simm.s32 $0x0;
	s20 =	sshll.u32 s5, $0x1;
	s5 =	sadd.s32 s21, s3  }
0x9d: {  	[timem:s7], [sflag:s22] =	dma.local [hbm:s5], s20  }
0x9e: {  	_ =	swait.ge [sflag:s22], s20  }
0x9f: {  	s4 =	ssub.s32 $0x0, s20;
	[sflag:s22] =	ssyncset.done $0x0  }
0xa0: {  	[sflag:s22] =	ssyncadd.s32 s4;
	_ =	sdelay $0x1  }
0xa1: {  	s23 =	simm.s32 $0x1B8B  }
0xa2: {  	_ =	swait.ge [sflag:s23], $0x1  }
0xa3: {  	[sflag:s23] =	ssyncset.done $0x0  }
0xa4: {  	s25 =	simm.s32 $0x1B8E;
	s24 =	sld [smem:$0x3FFE];
	[sflag:s23] =	ssyncadd.s32 $0xFFFFFFFF  }
0xa5: {  	s26 =	simm.s32 $execute0_lowered;
	[smem:$0x3FD2] =	sst s25  }
0xa6: {  	s5 =	sshll.u32 s26, $0x1;
	_ =	strace $0x80000046;
	[dreg:$0x1] =	wrdreg $0xFFFFFFFF  }
0xa7: {  	s28 =	simm.s32 $_size_execute0_lowered;
	s3 =	sadd.s32 s3, s5;
	[dreg:$0x0] =	wrdreg $0x0  }
0xa8: {  	s5 =	sshll.u32 s28, $0x1;
	[dreg:$0x2] =	wrdreg s3  }
0xa9: {  	[dreg:$0x3] =	wrdreg s5  }
0xaa: {  	[dreg:$0x4] =	wrdreg $0xC0  }
0xab: {  	_ =	task [dreg:s7], $0x5FFFF  }
0xac: {  	[dreg:$0x1] =	wrdreg $0xFFFFFFFF  }
0xad: {  	[dreg:$0x0] =	wrdreg $0x60  }
0xae: {  	[dreg:$0x2] =	wrdreg s24  }
0xaf: {  	[dreg:$0x3] =	wrdreg s2  }
0xb0: {  	[dreg:$0x4] =	wrdreg $0x0  }
0xb1: {  	[dreg:$0x5] =	wrdreg $0x9  }
0xb2: {  	_ =	task.clear_ibuf [dreg:s7], $0x6FFFF;
	_ =	strace $0x90000046  }
0xb3: {  	s29 =	simm.s32 $0x9;
	_ =	strace $0x80000048  }
0xb4: {  	_ =	swait.ge [sflag:s29], $0x1  }
0xb5: {  	[sflag:s29] =	ssyncadd.s32 $0xFFFFFFFF  }
0xb6: {  	_ =	strace $0x90000048  }
0xb7: {  	_ =	sfence  }
0xb8: {  	s30 =	sld [smem:$0x0];
	_ =	sdelay $0x2  }
0xb9: {  	s31 =	sshll.u32 s1, $0xD;
	s1 =	sshrl.u32 s1, $0x2  }
0xba: {  	s3 =	sand.u32 $0x4000, s31;
	s1 =	sadd.s32 s1, s30  }
0xbb: {  	s0 =	sor.u32 s3, s0;
	s1 =	sshll.u32 s1, $0x11  }
0xbc: {  	s0 =	sor.u32 s1, s0  }
0xbd: {  	s0 =	sadd.s32 $0x8F2B, s0  }
0xbe: {  	[sflag:s0] =	ssyncadd.remote.s32 $0x1  }
0xbf: {  	_ =	sfence.sel $0xFFFF  }
0xc0: {  	[dreg:$0x0] =	wrdreg $0xFFFFFFFF;
	(pc) =	sbr.abs _section_cstart, $3  }
0xc1: {  	[dreg:$0x1] =	wrdreg $0xFFFFFFFF  }
0xc2: {  	_ =	task.clear_ibuf [dreg:s7], $0x2FFFF;
	_ =	strace $0x9FFFFFFF  }
0xc3: {  	(tm) =	ssettm $0x7FFFFFFF  }
tec
execute0_lowered:
.L_overlay_start_1:
0x0: {  	(tag) =	ssettag $0x1  }
0x1: {  	s0 =	rddreg [dreg:$0x0]  }
0x2: {  	s3 =	rddreg [dreg:$0x1]  }
0x3: {  	s1 =	rddreg [dreg:$0x2];
	s4 =	srdreg.scid  }
0x4: {  	s5 =	stileid.u32;
	s2 =	simm.s32 $0x0;
	s30 =	simm.s32 $0x3  }
0x5: {  	s31 =	simm.s32 $0x2;
	s15 =	simm.s32 $0x6;
	s29 =	simm.s32 $0x54A0  }
0x6: {  	s4 =	sand.u32 $0x1, s4;
	s6 =	sshll.u32 s5, $0x1;
	[smem:$0x7FF] =	sst s2  }
0x7: {  	s9 =	sadd.s32 $0x2800, s0;
	s0 =	sadd.s32 $0x800, s0;
	s19 =	smul.u32 $0x32000, s5  }
0x8: {  	s6 =	sor.u32 s4, s6;
	s7 =	ssub.s32 $0x2, s4;
	s4 =	smul.u32 $0x19000, s4  }
0x9: {  	p0 =	sne.s32 s5, $0x0;
	_ =	strace $0x80000047;
	s8 =	smul.u32 $0x19000, s6  }
0xa: {  	[dreg:$0x6] =	wrdreg s0;
	s16 =	sshrl.u32 s7, $0x1;
	s10 =	smul.u32 $0xC8000, s6  }
0xb: {  	s6 =	smul.u32 $0x640000, s6;
	s0 =	ssub.s32 s7, s16;
	s4 =	sadd.s32 s4, s19  }
0xc: {  	s16 =	simm.s32 $0xFA0;
	s19 =	simm.s32 $0x80;
	s17 =	sor.u32 $0x280, s8  }
0xd: {  	s8 =	sshrl.u32 s8, $0x3;
	s10 =	sadd.s32 s3, s10;
	s6 =	sshrl.u32 s6, $0x3  }
0xe: {  	s23 =	sor.u32 $0xC80, s4;
	s0 =	smax.u32 s0, $0x1;
	s25 =	sor.u32 $0xA00, s4  }
0xf: {  	s4 =	sshll.u32 s4, $0x3;
	s11 =	sshrl.u32 s17, $0x3;
	[dreg:$0xa] =	wrdreg s10  }
0x10: {  	s12 =	sadd.s32 s9, s8;
	s7 =	sshll.u32 s17, $0x3;
	[dreg:$0xf] =	wrdreg s0  }
0x11: {  	s6 =	sadd.s32 s3, s6;
	s18 =	sadd.s32 s9, s11;
	[dreg:$0x7] =	wrdreg s12  }
0x12: {  	s24 =	sshrl.u32 s23, $0x3;
	s20 =	sadd.s32 $0xA0, s12;
	[dreg:$0x8] =	wrdreg s18  }
0x13: {  	s26 =	sadd.s32 s4, s3;
	s21 =	sadd.s32 $0xF0, s12;
	[dreg:$0x9] =	wrdreg s20  }
0x14: {  	s17 =	simm.s32 $0x1220;
	s7 =	sadd.s32 s3, s7;
	[dreg:$0xb] =	wrdreg s21  }
0x15: {  	s22 =	sadd.s32 $0xC5800, s6;
	s6 =	sadd.s32 $0xC6C00, s6;
	[dreg:$0xc] =	wrdreg s7  }
0x16: {  	s0 =	sadd.s32 s24, s9;
	s4 =	sadd.s32 $0x3C00, s26;
	[dreg:$0xd] =	wrdreg s22  }
0x17: {  	s12 =	simm.s32 $0x4;
	s3 =	simm.s32 $0x0;
	[dreg:$0xe] =	wrdreg s6  }
0x18: {  	s11 =	simm.s32 $0xF4A0;
	s6 =	sshrl.u32 s25, $0x3;
	[dreg:$0x4] =	wrdreg s0  }
0x19: {  	[dreg:$0x10] =	wrdreg s4;
	s0 =	sadd.s32 $0x2800, s26;
	s18 =	simm.s32 $0x1  }
0x1a: {  	s20 =	simm.s32 $0x14A0;
	s28 =	sadd.s32 s6, s9;
	[dreg:$0x11] =	wrdreg s0  }
0x1b: {  	s4 =	simm.s32 $0x5;
	s0 =	sshrl.u32 @!p0 s1, $0x3;
	[dreg:$0x5] =	wrdreg s28  }
0x1c: {  	s26 =	simm.s32 $0x34A0;
	[dreg:$0x12] =	wrdreg s0;
	s0 =	simm.s32 $0xB4A0  }
.LBB2_1:
0x1d: {  	[dreg:$0x13] =	wrdreg s3  }
0x1e: {  	s14 =	rddreg [dreg:$0x6]  }
0x1f: {  	s13 =	simm.s32 @!p0 $0x1C07;
	s21 =	rddreg [dreg:$0x12]  }
0x20: {  	[spmem:s21], [sflag:s13] =	dma.local @!p0 [hbm:s14], $0x1F40  }
0x21: {  	s13 =	simm.s32 @!p0 $0x7  }
0x22: {  	_ =	swait.ge @!p0 [sflag:s13], $0x1F40  }
0x23: {  	[sflag:s13] =	ssyncset.done @!p0 $0x0  }
0x24: {  	[sflag:s13] =	ssyncadd.s32 @!p0 $0xFFFFE0C0  }
0x25: {  	[bflag:$0x0] =	sbarrier.arrive $0xFFFF  }
0x26: {  	s3 =	rddreg [dreg:$0x7]  }
0x27: {  	[tilespmem:s16], [sflag:$0x1] =	stream.linear.gather [hbm4b:s3+s2], $0x280, $0x38;
	[tilespmem:$0x154A0] =	vst v63  }
0x28: {  	s5 =	rddreg [dreg:$0x8]  }
0x29: {  	[tilespmem:s17], [sflag:$0x2] =	stream.linear.gather [hbm4b:s5+s2], $0x280, $0x38;
	[tilespmem:$0x154A0] =	vst v63  }
0x2a: {  	_ =	swait.ge [sflag:s18], $0x280  }
0x2b: {  	[sflag:s18] =	ssyncset.done $0x0  }
0x2c: {  	[sflag:s18] =	ssyncadd.s32 $0xFFFFFD80  }
0x2d: {  	[tilespmem:s20], [sflag:$0x3] =	stream.indirect.gather [spmem:s1], $0x40, s16, s19, $0xb8;
	[tilespmem:$0x154A0] =	vst v63  }
0x2e: {  	s21 =	simm.s32 $0x34A0;
	s3 =	simm.s32 $0x1020  }
0x2f: {  	[tilespmem:s21], [sflag:$0x3] =	stream.indirect.gather [spmem:s1], $0x40, s3, s19, $0xb8;
	[tilespmem:$0x154A0] =	vst v63  }
0x30: {  	s23 =	simm.s32 $0x54A0;
	s5 =	simm.s32 $0x10A0  }
0x31: {  	[tilespmem:s23], [sflag:$0x3] =	stream.indirect.gather [spmem:s1], $0x40, s5, s19, $0xb8;
	[tilespmem:$0x154A0] =	vst v63  }
0x32: {  	s24 =	simm.s32 $0x1120;
	s14 =	simm.s32 $0x74A0  }
0x33: {  	[tilespmem:s14], [sflag:$0x3] =	stream.indirect.gather [spmem:s1], $0x40, s24, s19, $0xb8;
	[tilespmem:$0x154A0] =	vst v63  }
0x34: {  	s9 =	simm.s32 $0x11A0;
	s22 =	simm.s32 $0x94A0  }
0x35: {  	[tilespmem:s22], [sflag:$0x3] =	stream.indirect.gather [spmem:s1], $0x40, s9, s19, $0xb8;
	[tilespmem:$0x154A0] =	vst v63  }
0x36: {  	_ =	swait.ge [sflag:s30], $0x2000  }
0x37: {  	[sflag:s30] =	ssyncset.done $0x0  }
0x38: {  	[sflag:s30] =	ssyncadd.s32 $0xFFFFE000  }
0x39: {  	_ =	swait.ge [sflag:s30], $0x2000  }
0x3a: {  	[sflag:s30] =	ssyncset.done $0x0  }
0x3b: {  	[sflag:s30] =	ssyncadd.s32 $0xFFFFE000  }
0x3c: {  	_ =	swait.ge [sflag:s30], $0x2000  }
0x3d: {  	[sflag:s30] =	ssyncset.done $0x0  }
0x3e: {  	[sflag:s30] =	ssyncadd.s32 $0xFFFFE000  }
0x3f: {  	_ =	swait.ge [sflag:s30], $0x2000  }
0x40: {  	[sflag:s30] =	ssyncset.done $0x0  }
0x41: {  	[sflag:s30] =	ssyncadd.s32 $0xFFFFE000  }
0x42: {  	_ =	swait.ge [sflag:s30], $0x2000  }
0x43: {  	[sflag:s30] =	ssyncset.done $0x0  }
0x44: {  	s6 =	rddreg [dreg:$0x9];
	[sflag:s30] =	ssyncadd.s32 $0xFFFFE000  }
0x45: {  	[tilespmem:s16], [sflag:$0x1] =	stream.linear.gather [hbm4b:s6+s2], $0x280, $0x38;
	[tilespmem:$0x154A0] =	vst v63  }
0x46: {  	s7 =	rddreg [dreg:$0xa]  }
0x47: {  	[hbm4b:s7+s2] =	stream.linear.scatter [tilespmem:s20], [sflag:$0x5], $0xA000, $0x38;
	[tilespmem:$0x154A0] =	vst v63  }
0x48: {  	_ =	swait.ge [sflag:s31], $0x280  }
0x49: {  	[sflag:s31] =	ssyncset.done $0x0  }
0x4a: {  	[sflag:s31] =	ssyncadd.s32 $0xFFFFFD80  }
0x4b: {  	[tilespmem:s0], [sflag:$0x4] =	stream.indirect.gather [spmem:s1], $0x40, s17, s19, $0xb8;
	[tilespmem:$0x154A0] =	vst v63  }
0x4c: {  	s10 =	simm.s32 $0xD4A0;
	s6 =	simm.s32 $0x12A0  }
0x4d: {  	[tilespmem:s10], [sflag:$0x4] =	stream.indirect.gather [spmem:s1], $0x40, s6, s19, $0xb8;
	[tilespmem:$0x154A0] =	vst v63  }
0x4e: {  	s25 =	simm.s32 $0x1320;
	s7 =	simm.s32 $0xF4A0  }
0x4f: {  	[tilespmem:s7], [sflag:$0x4] =	stream.indirect.gather [spmem:s1], $0x40, s25, s19, $0xb8;
	[tilespmem:$0x154A0] =	vst v63  }
0x50: {  	s28 =	simm.s32 $0x13A0;
	s8 =	simm.s32 $0x114A0  }
0x51: {  	[tilespmem:s8], [sflag:$0x4] =	stream.indirect.gather [spmem:s1], $0x40, s28, s19, $0xb8;
	[tilespmem:$0x154A0] =	vst v63  }
0x52: {  	s13 =	simm.s32 $0x1420;
	s8 =	simm.s32 $0x134A0  }
0x53: {  	[tilespmem:s8], [sflag:$0x4] =	stream.indirect.gather [spmem:s1], $0x40, s13, s19, $0xb8;
	[tilespmem:$0x154A0] =	vst v63  }
0x54: {  	_ =	swait.ge [sflag:s12], $0x2000  }
0x55: {  	[sflag:s12] =	ssyncset.done $0x0  }
0x56: {  	[sflag:s12] =	ssyncadd.s32 $0xFFFFE000  }
0x57: {  	_ =	swait.ge [sflag:s12], $0x2000  }
0x58: {  	[sflag:s12] =	ssyncset.done $0x0  }
0x59: {  	[sflag:s12] =	ssyncadd.s32 $0xFFFFE000  }
0x5a: {  	_ =	swait.ge [sflag:s12], $0x2000  }
0x5b: {  	[sflag:s12] =	ssyncset.done $0x0  }
0x5c: {  	[sflag:s12] =	ssyncadd.s32 $0xFFFFE000  }
0x5d: {  	_ =	swait.ge [sflag:s12], $0x2000  }
0x5e: {  	[sflag:s12] =	ssyncset.done $0x0  }
0x5f: {  	[sflag:s12] =	ssyncadd.s32 $0xFFFFE000  }
0x60: {  	_ =	swait.ge [sflag:s12], $0x2000  }
0x61: {  	[sflag:s12] =	ssyncset.done $0x0  }
0x62: {  	s7 =	rddreg [dreg:$0xb];
	[sflag:s12] =	ssyncadd.s32 $0xFFFFE000  }
0x63: {  	[tilespmem:s17], [sflag:$0x2] =	stream.linear.gather [hbm4b:s7+s2], $0x280, $0x38;
	[tilespmem:$0x154A0] =	vst v63  }
0x64: {  	s8 =	rddreg [dreg:$0xc]  }
0x65: {  	[hbm4b:s8+s2] =	stream.linear.scatter [tilespmem:s0], [sflag:$0x6], $0xA000, $0x38;
	[tilespmem:$0x154A0] =	vst v63  }
0x66: {  	_ =	swait.ge [sflag:s18], $0x280  }
0x67: {  	[sflag:s18] =	ssyncset.done $0x0  }
0x68: {  	[sflag:s18] =	ssyncadd.s32 $0xFFFFFD80  }
0x69: {  	_ =	swait.ge [sflag:s4], $0xA000  }
0x6a: {  	[sflag:s4] =	ssyncset.done $0x0  }
0x6b: {  	[sflag:s4] =	ssyncadd.s32 $0xFFFF6000  }
0x6c: {  	[tilespmem:s20], [sflag:$0x3] =	stream.indirect.gather [spmem:s1], $0x40, s16, s19, $0xb8;
	[tilespmem:$0x154A0] =	vst v63  }
0x6d: {  	_ = 	snop  }
0x6e: {  	[tilespmem:s21], [sflag:$0x3] =	stream.indirect.gather [spmem:s1], $0x40, s3, s19, $0xb8;
	[tilespmem:$0x154A0] =	vst v63  }
0x6f: {  	_ = 	snop  }
0x70: {  	[tilespmem:s23], [sflag:$0x3] =	stream.indirect.gather [spmem:s1], $0x40, s5, s19, $0xb8;
	[tilespmem:$0x154A0] =	vst v63  }
0x71: {  	_ = 	snop  }
0x72: {  	[tilespmem:s14], [sflag:$0x3] =	stream.indirect.gather [spmem:s1], $0x40, s24, s19, $0xb8;
	[tilespmem:$0x154A0] =	vst v63  }
0x73: {  	_ = 	snop  }
0x74: {  	[tilespmem:s22], [sflag:$0x3] =	stream.indirect.gather [spmem:s1], $0x40, s9, s19, $0xb8;
	[tilespmem:$0x154A0] =	vst v63  }
0x75: {  	_ =	swait.ge [sflag:s30], $0x2000  }
0x76: {  	[sflag:s30] =	ssyncset.done $0x0  }
0x77: {  	[sflag:s30] =	ssyncadd.s32 $0xFFFFE000  }
0x78: {  	_ =	swait.ge [sflag:s30], $0x2000  }
0x79: {  	[sflag:s30] =	ssyncset.done $0x0  }
0x7a: {  	[sflag:s30] =	ssyncadd.s32 $0xFFFFE000  }
0x7b: {  	_ =	swait.ge [sflag:s30], $0x2000  }
0x7c: {  	[sflag:s30] =	ssyncset.done $0x0  }
0x7d: {  	[sflag:s30] =	ssyncadd.s32 $0xFFFFE000  }
0x7e: {  	_ =	swait.ge [sflag:s30], $0x2000  }
0x7f: {  	[sflag:s30] =	ssyncset.done $0x0  }
0x80: {  	[sflag:s30] =	ssyncadd.s32 $0xFFFFE000  }
0x81: {  	_ =	swait.ge [sflag:s30], $0x2000  }
0x82: {  	s9 =	rddreg [dreg:$0x5];
	[sflag:s30] =	ssyncset.done $0x0  }
0x83: {  	[sflag:s30] =	ssyncadd.s32 $0xFFFFE000;
	s13 =	sadd.s32 $0x0, s9  }
0x84: {  	[tilespmem:s16], [sflag:$0x1] =	stream.linear.gather [hbm4b:s13+s2], $0x280, $0x38;
	[tilespmem:$0x154A0] =	vst v63  }
0x85: {  	s21 =	rddreg [dreg:$0x11]  }
0x86: {  	[hbm4b:s21+s2] =	stream.linear.scatter [tilespmem:s20], [sflag:$0x5], $0xA000, $0x38;
	[tilespmem:$0x154A0] =	vst v63  }
0x87: {  	_ =	swait.ge [sflag:s31], $0x280  }
0x88: {  	[sflag:s31] =	ssyncset.done $0x0  }
0x89: {  	[sflag:s31] =	ssyncadd.s32 $0xFFFFFD80  }
0x8a: {  	_ =	swait.ge [sflag:s15], $0xA000  }
0x8b: {  	[sflag:s15] =	ssyncset.done $0x0  }
0x8c: {  	[sflag:s15] =	ssyncadd.s32 $0xFFFF6000  }
0x8d: {  	[tilespmem:s0], [sflag:$0x4] =	stream.indirect.gather [spmem:s1], $0x40, s17, s19, $0xb8;
	[tilespmem:$0x154A0] =	vst v63  }
0x8e: {  	_ = 	snop  }
0x8f: {  	[tilespmem:s10], [sflag:$0x4] =	stream.indirect.gather [spmem:s1], $0x40, s6, s19, $0xb8;
	[tilespmem:$0x154A0] =	vst v63  }
0x90: {  	s13 =	simm.s32 $0xF4A0  }
0x91: {  	[tilespmem:s13], [sflag:$0x4] =	stream.indirect.gather [spmem:s1], $0x40, s25, s19, $0xb8;
	[tilespmem:$0x154A0] =	vst v63  }
0x92: {  	s14 =	simm.s32 $0x114A0  }
0x93: {  	[tilespmem:s14], [sflag:$0x4] =	stream.indirect.gather [spmem:s1], $0x40, s28, s19, $0xb8;
	[tilespmem:$0x154A0] =	vst v63  }
0x94: {  	s23 =	simm.s32 $0x1420;
	s22 =	simm.s32 $0x134A0  }
0x95: {  	[tilespmem:s22], [sflag:$0x4] =	stream.indirect.gather [spmem:s1], $0x40, s23, s19, $0xb8;
	[tilespmem:$0x154A0] =	vst v63  }
0x96: {  	_ =	swait.ge [sflag:s12], $0x2000  }
0x97: {  	[sflag:s12] =	ssyncset.done $0x0  }
0x98: {  	[sflag:s12] =	ssyncadd.s32 $0xFFFFE000  }
0x99: {  	_ =	swait.ge [sflag:s12], $0x2000  }
0x9a: {  	[sflag:s12] =	ssyncset.done $0x0  }
0x9b: {  	[sflag:s12] =	ssyncadd.s32 $0xFFFFE000  }
0x9c: {  	_ =	swait.ge [sflag:s12], $0x2000  }
0x9d: {  	[sflag:s12] =	ssyncset.done $0x0  }
0x9e: {  	[sflag:s12] =	ssyncadd.s32 $0xFFFFE000  }
0x9f: {  	s7 =	simm.s32 $0x94A0;
	s8 =	simm.s32 $0x12A0;
	_ =	swait.ge [sflag:s12], $0x2000  }
0xa0: {  	s3 =	simm.s32 $0x13A0;
	s5 =	simm.s32 $0x74A0;
	[sflag:s12] =	ssyncset.done $0x0  }
0xa1: {  	s9 =	simm.s32 $0xD4A0;
	s21 =	sadd.s32 $0x2800, s21;
	[sflag:s12] =	ssyncadd.s32 $0xFFFFE000  }
0xa2: {  	s10 =	simm.s32 $0x1320;
	s6 =	simm.s32 $0x114A0;
	_ =	swait.ge [sflag:s12], $0x2000  }
0xa3: {  	s25 =	simm.s32 $0x1420;
	s24 =	rddreg [dreg:$0x4];
	[sflag:s12] =	ssyncset.done $0x0  }
0xa4: {  	s22 =	rddreg [dreg:$0x10];
	[sflag:s12] =	ssyncadd.s32 $0xFFFFE000;
	s13 =	sadd.s32 $0x0, s24  }
0xa5: {  	[tilespmem:s17], [sflag:$0x2] =	stream.linear.gather [hbm4b:s13+s2], $0x280, $0x38;
	[tilespmem:$0x154A0] =	vst v63  }
0xa6: {  	s28 =	simm.s32 $0x134A0;
	s14 =	sadd.s32 $0x2800, s22;
	s13 =	simm.s32 $0xA0  }
.LBB2_2:
0xa7: {  	[hbm4b:s22+s2] =	stream.linear.scatter [tilespmem:s0], [sflag:$0x6], $0xA000, $0x38;
	[tilespmem:$0x154A0] =	vst v63  }
0xa8: {  	_ =	swait.ge [sflag:s18], $0x280  }
0xa9: {  	[sflag:s18] =	ssyncset.done $0x0  }
0xaa: {  	[sflag:s18] =	ssyncadd.s32 $0xFFFFFD80  }
0xab: {  	_ =	swait.ge [sflag:s4], $0xA000  }
0xac: {  	[sflag:s4] =	ssyncset.done $0x0  }
0xad: {  	[sflag:s4] =	ssyncadd.s32 $0xFFFF6000  }
0xae: {  	[tilespmem:s20], [sflag:$0x3] =	stream.indirect.gather [spmem:s1], $0x40, s16, s19, $0xb8;
	[tilespmem:$0x154A0] =	vst v63  }
0xaf: {  	s24 =	simm.s32 $0x1020  }
0xb0: {  	[tilespmem:s26], [sflag:$0x3] =	stream.indirect.gather [spmem:s1], $0x40, s24, s19, $0xb8;
	[tilespmem:$0x154A0] =	vst v63  }
0xb1: {  	s24 =	simm.s32 $0x10A0  }
0xb2: {  	[tilespmem:s29], [sflag:$0x3] =	stream.indirect.gather [spmem:s1], $0x40, s24, s19, $0xb8;
	[tilespmem:$0x154A0] =	vst v63  }
0xb3: {  	s24 =	simm.s32 $0x1120  }
0xb4: {  	[tilespmem:s5], [sflag:$0x3] =	stream.indirect.gather [spmem:s1], $0x40, s24, s19, $0xb8;
	[tilespmem:$0x154A0] =	vst v63  }
0xb5: {  	s24 =	simm.s32 $0x11A0  }
0xb6: {  	[tilespmem:s7], [sflag:$0x3] =	stream.indirect.gather [spmem:s1], $0x40, s24, s19, $0xb8;
	[tilespmem:$0x154A0] =	vst v63  }
0xb7: {  	_ =	swait.ge [sflag:s30], $0x2000  }
0xb8: {  	[sflag:s30] =	ssyncset.done $0x0  }
0xb9: {  	[sflag:s30] =	ssyncadd.s32 $0xFFFFE000  }
0xba: {  	_ =	swait.ge [sflag:s30], $0x2000  }
0xbb: {  	[sflag:s30] =	ssyncset.done $0x0  }
0xbc: {  	[sflag:s30] =	ssyncadd.s32 $0xFFFFE000  }
0xbd: {  	_ =	swait.ge [sflag:s30], $0x2000  }
0xbe: {  	[sflag:s30] =	ssyncset.done $0x0  }
0xbf: {  	[sflag:s30] =	ssyncadd.s32 $0xFFFFE000  }
0xc0: {  	_ =	swait.ge [sflag:s30], $0x2000  }
0xc1: {  	[sflag:s30] =	ssyncset.done $0x0  }
0xc2: {  	[sflag:s30] =	ssyncadd.s32 $0xFFFFE000  }
0xc3: {  	_ =	swait.ge [sflag:s30], $0x2000  }
0xc4: {  	s23 =	smov.u32 s13;
	s24 =	rddreg [dreg:$0x5];
	[sflag:s30] =	ssyncset.done $0x0  }
0xc5: {  	[sflag:s30] =	ssyncadd.s32 $0xFFFFE000;
	s24 =	sadd.s32 s23, s24  }
0xc6: {  	[tilespmem:s16], [sflag:$0x1] =	stream.linear.gather [hbm4b:s24+s2], $0x280, $0x38;
	[tilespmem:$0x154A0] =	vst v63  }
0xc7: {  	_ = 	snop  }
0xc8: {  	[hbm4b:s21+s2] =	stream.linear.scatter [tilespmem:s20], [sflag:$0x5], $0xA000, $0x38;
	[tilespmem:$0x154A0] =	vst v63  }
0xc9: {  	_ =	swait.ge [sflag:s31], $0x280  }
0xca: {  	[sflag:s31] =	ssyncset.done $0x0  }
0xcb: {  	[sflag:s31] =	ssyncadd.s32 $0xFFFFFD80  }
0xcc: {  	_ =	swait.ge [sflag:s15], $0xA000  }
0xcd: {  	[sflag:s15] =	ssyncset.done $0x0  }
0xce: {  	[sflag:s15] =	ssyncadd.s32 $0xFFFF6000  }
0xcf: {  	[tilespmem:s0], [sflag:$0x4] =	stream.indirect.gather [spmem:s1], $0x40, s17, s19, $0xb8;
	[tilespmem:$0x154A0] =	vst v63  }
0xd0: {  	_ = 	snop  }
0xd1: {  	[tilespmem:s9], [sflag:$0x4] =	stream.indirect.gather [spmem:s1], $0x40, s8, s19, $0xb8;
	[tilespmem:$0x154A0] =	vst v63  }
0xd2: {  	_ = 	snop  }
0xd3: {  	[tilespmem:s11], [sflag:$0x4] =	stream.indirect.gather [spmem:s1], $0x40, s10, s19, $0xb8;
	[tilespmem:$0x154A0] =	vst v63  }
0xd4: {  	_ = 	snop  }
0xd5: {  	[tilespmem:s6], [sflag:$0x4] =	stream.indirect.gather [spmem:s1], $0x40, s3, s19, $0xb8;
	[tilespmem:$0x154A0] =	vst v63  }
0xd6: {  	_ = 	snop  }
0xd7: {  	[tilespmem:s28], [sflag:$0x4] =	stream.indirect.gather [spmem:s1], $0x40, s25, s19, $0xb8;
	[tilespmem:$0x154A0] =	vst v63  }
0xd8: {  	_ =	swait.ge [sflag:s12], $0x2000  }
0xd9: {  	[sflag:s12] =	ssyncset.done $0x0  }
0xda: {  	[sflag:s12] =	ssyncadd.s32 $0xFFFFE000  }
0xdb: {  	_ =	swait.ge [sflag:s12], $0x2000  }
0xdc: {  	[sflag:s12] =	ssyncset.done $0x0  }
0xdd: {  	[sflag:s12] =	ssyncadd.s32 $0xFFFFE000  }
0xde: {  	_ =	swait.ge [sflag:s12], $0x2000  }
0xdf: {  	[sflag:s12] =	ssyncset.done $0x0  }
0xe0: {  	[sflag:s12] =	ssyncadd.s32 $0xFFFFE000  }
0xe1: {  	_ =	swait.ge [sflag:s12], $0x2000  }
0xe2: {  	p1 =	sne.s32 s13, $0x3020;
	[sflag:s12] =	ssyncset.done $0x0  }
.Ltmp0:
0xe3: {  	[sflag:s12] =	ssyncadd.s32 $0xFFFFE000;
	(pc) =	sbr.rel @p1 .LBB2_2-.Ltmp0, $4  }
0xe4: {  	s22 =	smov.u32 s14;
	s13 =	sadd.s32 $0xA0, s13;
	_ =	swait.ge [sflag:s12], $0x2000  }
0xe5: {  	s14 =	sadd.s32 $0x2800, s14;
	s24 =	rddreg [dreg:$0x4];
	[sflag:s12] =	ssyncset.done $0x0  }
0xe6: {  	s21 =	sadd.s32 $0x2800, s21;
	[sflag:s12] =	ssyncadd.s32 $0xFFFFE000;
	s23 =	sadd.s32 s23, s24  }
0xe7: {  	[tilespmem:s17], [sflag:$0x2] =	stream.linear.gather [hbm4b:s23+s2], $0x280, $0x38;
	[tilespmem:$0x154A0] =	vst v63  }
0xe8: {  	[hbm4b:s22+s2] =	stream.linear.scatter [tilespmem:s0], [sflag:$0x6], $0xA000, $0x38;
	[tilespmem:$0x154A0] =	vst v63  }
0xe9: {  	_ =	swait.ge [sflag:s18], $0x280  }
0xea: {  	[sflag:s18] =	ssyncset.done $0x0  }
0xeb: {  	[sflag:s18] =	ssyncadd.s32 $0xFFFFFD80  }
0xec: {  	_ =	swait.ge [sflag:s4], $0xA000  }
0xed: {  	[sflag:s4] =	ssyncset.done $0x0  }
0xee: {  	[sflag:s4] =	ssyncadd.s32 $0xFFFF6000  }
0xef: {  	[tilespmem:s20], [sflag:$0x3] =	stream.indirect.gather [spmem:s1], $0x40, s16, s19, $0xb8;
	[tilespmem:$0x154A0] =	vst v63  }
0xf0: {  	s13 =	simm.s32 $0x1020  }
0xf1: {  	[tilespmem:s26], [sflag:$0x3] =	stream.indirect.gather [spmem:s1], $0x40, s13, s19, $0xb8;
	[tilespmem:$0x154A0] =	vst v63  }
0xf2: {  	s14 =	simm.s32 $0x10A0  }
0xf3: {  	[tilespmem:s29], [sflag:$0x3] =	stream.indirect.gather [spmem:s1], $0x40, s14, s19, $0xb8;
	[tilespmem:$0x154A0] =	vst v63  }
0xf4: {  	s21 =	simm.s32 $0x1120  }
0xf5: {  	[tilespmem:s5], [sflag:$0x3] =	stream.indirect.gather [spmem:s1], $0x40, s21, s19, $0xb8;
	[tilespmem:$0x154A0] =	vst v63  }
0xf6: {  	s22 =	simm.s32 $0x11A0  }
0xf7: {  	[tilespmem:s7], [sflag:$0x3] =	stream.indirect.gather [spmem:s1], $0x40, s22, s19, $0xb8;
	[tilespmem:$0x154A0] =	vst v63  }
0xf8: {  	_ =	swait.ge [sflag:s30], $0x2000  }
0xf9: {  	[sflag:s30] =	ssyncset.done $0x0  }
0xfa: {  	[sflag:s30] =	ssyncadd.s32 $0xFFFFE000  }
0xfb: {  	_ =	swait.ge [sflag:s30], $0x2000  }
0xfc: {  	[sflag:s30] =	ssyncset.done $0x0  }
0xfd: {  	[sflag:s30] =	ssyncadd.s32 $0xFFFFE000  }
0xfe: {  	_ =	swait.ge [sflag:s30], $0x2000  }
0xff: {  	[sflag:s30] =	ssyncset.done $0x0  }
0x100: {  	[sflag:s30] =	ssyncadd.s32 $0xFFFFE000  }
0x101: {  	_ =	swait.ge [sflag:s30], $0x2000  }
0x102: {  	[sflag:s30] =	ssyncset.done $0x0  }
0x103: {  	[sflag:s30] =	ssyncadd.s32 $0xFFFFE000  }
0x104: {  	_ =	swait.ge [sflag:s30], $0x2000  }
0x105: {  	[sflag:s30] =	ssyncset.done $0x0  }
0x106: {  	s23 =	rddreg [dreg:$0xd];
	[sflag:s30] =	ssyncadd.s32 $0xFFFFE000  }
0x107: {  	[hbm4b:s23+s2] =	stream.linear.scatter [tilespmem:s20], [sflag:$0x5], $0xA000, $0x38;
	[tilespmem:$0x154A0] =	vst v63  }
0x108: {  	_ =	swait.ge [sflag:s31], $0x280  }
0x109: {  	[sflag:s31] =	ssyncset.done $0x0  }
0x10a: {  	[sflag:s31] =	ssyncadd.s32 $0xFFFFFD80  }
0x10b: {  	_ =	swait.ge [sflag:s15], $0xA000  }
0x10c: {  	[sflag:s15] =	ssyncset.done $0x0  }
0x10d: {  	[sflag:s15] =	ssyncadd.s32 $0xFFFF6000  }
0x10e: {  	[tilespmem:s0], [sflag:$0x4] =	stream.indirect.gather [spmem:s1], $0x40, s17, s19, $0xb8;
	[tilespmem:$0x154A0] =	vst v63  }
0x10f: {  	_ = 	snop  }
0x110: {  	[tilespmem:s9], [sflag:$0x4] =	stream.indirect.gather [spmem:s1], $0x40, s8, s19, $0xb8;
	[tilespmem:$0x154A0] =	vst v63  }
0x111: {  	_ = 	snop  }
0x112: {  	[tilespmem:s11], [sflag:$0x4] =	stream.indirect.gather [spmem:s1], $0x40, s10, s19, $0xb8;
	[tilespmem:$0x154A0] =	vst v63  }
0x113: {  	_ = 	snop  }
0x114: {  	[tilespmem:s6], [sflag:$0x4] =	stream.indirect.gather [spmem:s1], $0x40, s3, s19, $0xb8;
	[tilespmem:$0x154A0] =	vst v63  }
0x115: {  	_ = 	snop  }
0x116: {  	[tilespmem:s28], [sflag:$0x4] =	stream.indirect.gather [spmem:s1], $0x40, s25, s19, $0xb8;
	[tilespmem:$0x154A0] =	vst v63  }
0x117: {  	_ =	swait.ge [sflag:s12], $0x2000  }
0x118: {  	[sflag:s12] =	ssyncset.done $0x0  }
0x119: {  	[sflag:s12] =	ssyncadd.s32 $0xFFFFE000  }
0x11a: {  	_ =	swait.ge [sflag:s12], $0x2000  }
0x11b: {  	[sflag:s12] =	ssyncset.done $0x0  }
0x11c: {  	[sflag:s12] =	ssyncadd.s32 $0xFFFFE000  }
0x11d: {  	_ =	swait.ge [sflag:s12], $0x2000  }
0x11e: {  	[sflag:s12] =	ssyncset.done $0x0  }
0x11f: {  	[sflag:s12] =	ssyncadd.s32 $0xFFFFE000  }
0x120: {  	_ =	swait.ge [sflag:s12], $0x2000  }
0x121: {  	[sflag:s12] =	ssyncset.done $0x0  }
0x122: {  	[sflag:s12] =	ssyncadd.s32 $0xFFFFE000  }
0x123: {  	_ =	swait.ge [sflag:s12], $0x2000  }
0x124: {  	[sflag:s12] =	ssyncset.done $0x0  }
0x125: {  	s24 =	rddreg [dreg:$0xe];
	[sflag:s12] =	ssyncadd.s32 $0xFFFFE000  }
0x126: {  	[hbm4b:s24+s2] =	stream.linear.scatter [tilespmem:s0], [sflag:$0x6], $0xA000, $0x38;
	[tilespmem:$0x154A0] =	vst v63  }
0x127: {  	_ =	swait.ge [sflag:s4], $0xA000  }
0x128: {  	[sflag:s4] =	ssyncset.done $0x0  }
0x129: {  	[sflag:s4] =	ssyncadd.s32 $0xFFFF6000  }
0x12a: {  	_ =	swait.ge [sflag:s15], $0xA000  }
0x12b: {  	s25 =	rddreg [dreg:$0x13]  }
0x12c: {  	s28 =	rddreg [dreg:$0xf];
	s3 =	sadd.s32 $0x1, s25  }
0x12d: {  	p1 =	sne.s32 s3, s28  }
.Ltmp1:
0x12e: {  	_ = 	snop;
	(pc) =	sbr.rel @p1 .LBB2_1-.Ltmp1, $3  }
0x12f: {  	_ =	sdelay $0x1  }
0x130: {  	[sflag:s15] =	ssyncset.done $0x0  }
0x131: {  	[sflag:s15] =	ssyncadd.s32 $0xFFFF6000  }
0x132: {  	_ =	sfence.sel $0x180000  }
0x133: {  	[bflag:$0x0] =	sbarrier.arrive $0xFFFF  }
0x134: {  	_ =	strace $0x90000047  }
0x135: {  	[bflag:$0x2] =	sbarrier.arrive $0xFFFF  }
0x136: {  	s0 =	rddreg [dreg:$0x3]  }
0x137: {  	s0 =	sadd.s32 @!p0 $0x100000, s0  }
0x138: {  	[sflag:s0] =	ssyncadd.tile.s32 @!p0 $0x1;
	_ =	shalt  }
.Lfunc_end2:
_tile_overlayer_lowered:
.L_overlay_start_2:
0x139: {  	(tag) =	ssettag $0x2  }
0x13a: {  	s0 =	rddreg [dreg:$0x0];
	s2 =	stileid.u32  }
0x13b: {  	s1 =	rddreg [dreg:$0x1];
	p0 =	sne.s32 s2, $0x0  }
0x13c: {  	s3 =	rddreg [dreg:$0x2];
	[bflag:$0x3] =	sbarrier.arrive $0xFFFF;
	s2 =	simm.s32 @!p0 $0x1C07  }
0x13d: {  	[timem:s3], [sflag:s2] =	dma.local @!p0 [hbm:s0], s1  }
0x13e: {  	s0 =	simm.s32 @!p0 $0x7  }
0x13f: {  	_ =	swait.ge @!p0 [sflag:s0], s1  }
0x140: {  	s1 =	ssub.s32 @!p0 $0x0, s1;
	[sflag:s0] =	ssyncset.done @!p0 $0x0  }
0x141: {  	[sflag:s0] =	ssyncadd.s32 @!p0 s1  }
0x142: {  	[bflag:$0x3] =	sbarrier.arrive $0xFFFF  }
0x143: {  	_ =	shalt  }

// kernel: sparse-core-data-format-call.cloned.1.call-start
scs
called_computation_lowered:
.L_overlay_start_0:
0x0: {  	s2 =	sld [smem:$0x3FD9]  }
0x1: {  	s3 =	sld [smem:$0x3FFE];
	_ =	sdelay $0x1  }
0x2: {  	s1 =	srdreg.scid  }
0x3: {  	s0 =	sand.u32 $0x1, s1  }
0x4: {  	s18 =	sshll.u32 s0, $0xA;
	s2 =	sadd.s32 s3, s2  }
0x5: {  	s2 =	sadd.s32 s2, s18  }
0x6: {  	[smem:$0x3FC6] =	sst s2  }
0x7: {  	_ = 	snop  }
0x8: {  	s2 =	sld [smem:$0x3FD0];
	(tm) =	ssettm $0x1  }
0x9: {  	s19 =	sld [smem:$0x3FFB];
	_ =	sdelay $0x3  }
0xa: {  	_ =	strace s19  }
0xb: {  	s3 =	sld [smem:$0x3FFC];
	_ =	sdelay $0x3  }
0xc: {  	_ =	strace s3  }
0xd: {  	s3 =	sld [smem:$0x3FFD];
	_ =	sdelay $0x3  }
0xe: {  	_ =	strace s3  }
0xf: {  	_ =	strace $0x8FFFFFFF  }
0x10: {  	s20 =	sld [smem:$0x3FDB];
	_ =	sdelay $0x1  }
0x11: {  	s4 =	simm.s32 $_scs_section_size  }
0x12: {  	s5 =	simm.s32 $_size__tile_overlayer_lowered;
	s6 =	simm.s32 $_tile_overlayer_lowered  }
0x13: {  	s23 =	simm.s32 $0x1BFF;
	s22 =	sshll.u32 s6, $0x1;
	s3 =	sadd.s32 s4, s20  }
0x14: {  	s7 =	simm.s32 $0x0;
	s21 =	sshll.u32 s5, $0x1;
	s5 =	sadd.s32 s22, s3  }
0x15: {  	[timem:s7], [sflag:s23] =	dma.local [hbm:s5], s21  }
0x16: {  	_ =	swait.ge [sflag:s23], s21  }
0x17: {  	s4 =	ssub.s32 $0x0, s21;
	[sflag:s23] =	ssyncset.done $0x0  }
0x18: {  	[sflag:s23] =	ssyncadd.s32 s4;
	_ =	sdelay $0x1  }
0x19: {  	s24 =	simm.s32 $0x1B8B  }
0x1a: {  	_ =	swait.ge [sflag:s24], $0x1  }
0x1b: {  	[sflag:s24] =	ssyncset.done $0x0  }
0x1c: {  	s26 =	simm.s32 $0x1B8E;
	s25 =	sld [smem:$0x3FFE];
	[sflag:s24] =	ssyncadd.s32 $0xFFFFFFFF  }
0x1d: {  	s27 =	simm.s32 $execute0_lowered;
	[smem:$0x3FD2] =	sst s26  }
0x1e: {  	s5 =	sshll.u32 s27, $0x1;
	_ =	strace $0x80000049;
	[dreg:$0x1] =	wrdreg $0xFFFFFFFF  }
0x1f: {  	s28 =	simm.s32 $_size_execute0_lowered;
	s3 =	sadd.s32 s3, s5;
	[dreg:$0x0] =	wrdreg $0x0  }
0x20: {  	s5 =	sshll.u32 s28, $0x1;
	[dreg:$0x2] =	wrdreg s3  }
0x21: {  	[dreg:$0x3] =	wrdreg s5  }
0x22: {  	[dreg:$0x4] =	wrdreg $0xC0  }
0x23: {  	_ =	task [dreg:s7], $0x5FFFF  }
0x24: {  	[dreg:$0x1] =	wrdreg $0xFFFFFFFF  }
0x25: {  	[dreg:$0x0] =	wrdreg $0x60  }
0x26: {  	[dreg:$0x2] =	wrdreg s25  }
0x27: {  	[dreg:$0x3] =	wrdreg s2  }
0x28: {  	[dreg:$0x4] =	wrdreg $0x9  }
0x29: {  	_ =	task.clear_ibuf [dreg:s7], $0x5FFFF;
	_ =	strace $0x90000049  }
0x2a: {  	s29 =	simm.s32 $0x9;
	_ =	strace $0x8000004B  }
0x2b: {  	_ =	swait.ge [sflag:s29], $0x1  }
0x2c: {  	[sflag:s29] =	ssyncadd.s32 $0xFFFFFFFF  }
0x2d: {  	_ =	strace $0x9000004B  }
0x2e: {  	_ =	sfence  }
0x2f: {  	s30 =	sld [smem:$0x0];
	_ =	sdelay $0x2  }
0x30: {  	s31 =	sshll.u32 s1, $0xD;
	s1 =	sshrl.u32 s1, $0x2  }
0x31: {  	s3 =	sand.u32 $0x4000, s31;
	s1 =	sadd.s32 s1, s30  }
0x32: {  	s0 =	sor.u32 s3, s0;
	s1 =	sshll.u32 s1, $0x11  }
0x33: {  	s0 =	sor.u32 s1, s0  }
0x34: {  	s0 =	sadd.s32 $0x8F2B, s0  }
0x35: {  	[sflag:s0] =	ssyncadd.remote.s32 $0x1  }
0x36: {  	_ =	sfence.sel $0xFFFF  }
0x37: {  	[dreg:$0x0] =	wrdreg $0xFFFFFFFF;
	(pc) =	sbr.abs _section_cstart, $3  }
0x38: {  	[dreg:$0x1] =	wrdreg $0xFFFFFFFF  }
0x39: {  	_ =	task.clear_ibuf [dreg:s7], $0x2FFFF;
	_ =	strace $0x9FFFFFFF  }
0x3a: {  	(tm) =	ssettm $0x7FFFFFFF  }
0x3b: {  	_ =	shalt  }
tec
execute0_lowered:
.L_overlay_start_1:
0x0: {  	(tag) =	ssettag $0x1  }
0x1: {  	s0 =	srdreg.scid  }
0x2: {  	s1 =	sshll.u32 s0, $0x4  }
0x3: {  	s0 =	stileid.u32;
	s1 =	sand.u32 $0x10, s1  }
0x4: {  	s1 =	sor.u32 s0, s1  }
0x5: {  	s6 =	rddreg [dreg:$0x0];
	s4 =	simm.s32 $0x1;
	s2 =	sshll.u32 s1, $0x7  }
0x6: {  	s7 =	simm.s32 $0x2;
	s12 =	simm.s32 $0x0;
	s1 =	ssub.s32 $0x4000, s2  }
0x7: {  	s8 =	simm.s32 $0x20000;
	s13 =	simm.s32 $0x0;
	s3 =	sand.u32 $0xF80, s1  }
0x8: {  	s9 =	simm.s32 $0x0;
	s5 =	sshrl.u32 s1, $0xC;
	p0 =	sne.s32 s3, $0x0  }
.Ltmp0:
0x9: {  	s1 =	rddreg [dreg:$0x2];
	s4 =	simm.s32 @!p0 $0x0;
	(pc) =	sbr.rel .LBB1_1-.Ltmp0, $4  }
0xa: {  	s11 =	simm.s32 $0x0;
	s3 =	rddreg [dreg:$0x1];
	s5 =	sadd.s32 s4, s5  }
0xb: {  	_ =	strace $0x8000004A;
	s4 =	simm.s32 $0x1;
	s5 =	smul.u32 $0xC8, s5  }
0xc: {  	s6 =	sadd.s32 $0x800, s6;
	s10 =	smov.u32 s2;
	[sflag:s4] =	ssyncpa.u1 $0x0  }
0xd: {  	p0 =	por $0x0, $0x0;
	[sflag:s7] =	ssyncpa.u1 $0x0;
	s7 =	sor.u32 $0x1, s5  }
.LBB1_4:
0xe: {  	s16 =	sshll.u32 s13, $0x3;
	s17 =	sand.u32 $0x78, s13  }
0xf: {  	s30 =	sand.u32 $0x1F800, s13;
	s12 =	sshll.u32 s12, $0x11;
	s16 =	sand.u32 $0x3C00, s16  }
0x10: {  	[tilespmem:s15+$0x810 ss:$0x81] =	vst.msk $0xffff, v2;
	s31 =	sand.u32 $0x7, s13;
	s16 =	sor.u32 s17, s16;
	s17 =	sadd.s32 s3, s30  }
0x11: {  	[tilespmem:s15+$0x1020 ss:$0x81] =	vst.msk $0xffff, v0;
	s13 =	sshll.u32 s31, $0x12;
	s12 =	sadd.s32 s12, s17;
	s16 =	sshrl.u32 s16, $0x3  }
0x12: {  	[tilespmem:s15+$0x0 ss:$0x81] =	vst.msk $0xffff, v1;
	s13 =	sor.u32 $0x400, s13;
	s12 =	sadd.s32 s16, s12  }
0x13: {  	[hbm4b:s12+s13] =	stream.strided.scatter [tilespmem:s14], [sflag:$0x2], $0x2000, s8, s13, $0x20;
	[tilespmem:$0x8080] =	vst v63  }
.LBB1_5:
0x14: {  	s14 =	sadd.s32 $0x1, s9  }
0x15: {  	s12 =	sadd.s32 $0x1000, s10;
	s16 =	smov.u32 s10;
	p2 =	sgt.s32 s14, $0xC7  }
0x16: {  	s16 =	smov.u32 @p2 s12  }
0x17: {  	s14 =	simm.s32 @p2 $0x0;
	p2 =	sgt.s32 s16, $0x3FFF  }
0x18: {  	s16 =	smov.u32 @p2 s2;
	p2 =	sne.s32 s11, s7  }
.Ltmp1:
0x19: {  	p1 =	slt.u32 s11, $0x2;
	(pc) =	sbr.rel @!p2 .LBB1_6-.Ltmp1, $4  }
0x1a: {  	s15 =	simm.s32 @!p1 $0x2  }
0x1b: {  	s13 =	smov.u32 s10;
	p0 =	por !p0, !p0;
	_ =	swait.ge @!p1 [sflag:s15], $0x2000  }
0x1c: {  	s12 =	smov.u32 s9;
	[sflag:s15] =	ssyncset.done @!p1 $0x0;
	s9 =	smov.u32 s14  }
0x1d: {  	s11 =	sadd.s32 $0x1, s11;
	[sflag:s15] =	ssyncadd.s32 @!p1 $0xFFFFE000;
	s10 =	smov.u32 s16  }
.LBB1_1:
0x1e: {  	p1 =	sge.u32 s11, s5  }
0x1f: {  	s14 =	sand.u32 @!p1 $0x1FFFFFF, s9  }
0x20: {  	s15 =	smulhi.u32 @!p1 $0x147AE15, s14;
	_ =	sdelay $0x1  }
0x21: {  	s15 =	smul.u32 @!p1 $0xC8, s15  }
0x22: {  	s16 =	sxor.u32 @!p1 $0xFFFFFFFF, s11;
	s17 =	smul.u32 @!p1 $0xC80, s10  }
0x23: {  	s31 =	sadd.s32 $0xFFFFFFFF, s11;
	s16 =	sshll.u32 @!p1 s16, $0xD;
	s14 =	ssub.s32 @!p1 s14, s15  }
0x24: {  	s15 =	sand.u32 @!p1 $0x2000, s16;
	s16 =	sadd.s32 @!p1 s6, s17;
	s14 =	sshll.u32 @!p1 s14, $0x4  }
0x25: {  	s17 =	simm.s32 @!p1 $0x6400;
	s14 =	sadd.s32 @!p1 s14, s16;
	s16 =	simm.s32 @!p1 $0x40  }
0x26: {  	[tilespmem:s15], [sflag:$0x1] =	stream.strided.gather @!p1 [hbm4b:s14+s16], $0x2000, s17, s16, $0x38;
	[tilespmem:$0x8080] =	vst v63  }
0x27: {  	p1 =	sge.u32 s31, s5  }
.Ltmp2:
0x28: {  	_ = 	snop;
	(pc) =	sbr.rel @p1 .LBB1_5-.Ltmp2, $1  }
0x29: {  	_ =	sdelay $0x3  }
0x2a: {  	s14 =	simm.s32 $0x1  }
0x2b: {  	_ =	swait.ge [sflag:s4], $0x2000;
	s14 =	simm.s32 @!p0 $0x0  }
0x2c: {  	[sflag:s4] =	ssyncset.done $0x0;
	s15 =	sshll.u32 s14, $0xD  }
0x2d: {  	[sflag:s4] =	ssyncadd.s32 $0xFFFFE000;
	s18 =	sor.u32 $0x20, s15  }
0x2e: {  	s14 =	smul.u32 $0x8100, s14;
	v3 =	vld [tilespmem:s18+$0x10]  }
0x2f: {  	s30 =	sand.u32 $0x1, s11;
	v2 =	vld [tilespmem:s18+$0xFFFFFFF0]  }
0x30: {  	s15 =	smul.u32 $0x8100, s30;
	s14 =	sshrl.u32 s14, $0x2;
	v0 =	vld [tilespmem:s18+$0x0]  }
0x31: {  	v1 =	vld [tilespmem:s18+$0xFFFFFFE0];
	s16 =	sor.u32 $0x4000, s14  }
0x32: {  	s31 =	sshrl.u32 s15, $0x2;
	s15 =	sadd.s32 $0x0, s16  }
0x33: {  	s17 =	simm.s32 $0x4;
	s18 =	sadd.s32 $0x40, s18;
	s14 =	sor.u32 $0x4000, s31;
	[tilespmem:s15+$0x1830 ss:$0x81] =	vst.msk $0xffff, v3  }
.LBB1_3:
0x34: {  	v3 =	vld [tilespmem:s18+$0x10];
	p1 =	sne.s32 s17, $0x1FC;
	[tilespmem:s15+$0x810 ss:$0x81] =	vst.msk $0xffff, v2;
	s19 =	smov.u32 s17;
	s17 =	sadd.s32 $0x4, s17  }
.Ltmp3:
0x35: {  	v2 =	vld [tilespmem:s18+$0xFFFFFFF0];
	[tilespmem:s15+$0x1020 ss:$0x81] =	vst.msk $0xffff, v0;
	(pc) =	sbr.rel @p1 .LBB1_3-.Ltmp3, $4  }
0x36: {  	v0 =	vld [tilespmem:s18+$0x0];
	[tilespmem:s15+$0x0 ss:$0x81] =	vst.msk $0xffff, v1  }
0x37: {  	s15 =	sshra.s32 s19, $0x2;
	v1 =	vld [tilespmem:s18+$0xFFFFFFE0]  }
0x38: {  	s15 =	sadd.s32 s15, s16  }
0x39: {  	s18 =	sadd.s32 $0x40, s18;
	[tilespmem:s15+$0x1830 ss:$0x81] =	vst.msk $0xffff, v3  }
.Ltmp4:
0x3a: {  	_ = 	snop;
	(pc) =	sbr.rel .LBB1_4-.Ltmp4, $1  }
0x3b: {  	_ =	sdelay $0x3  }
.LBB1_6:
0x3c: {  	_ =	sfence.sel $0x180000  }
0x3d: {  	s2 =	simm.s32 $0x1;
	[bflag:$0x0] =	sbarrier.arrive $0xFFFF  }
0x3e: {  	s31 =	simm.s32 $0x2;
	[sflag:s2] =	ssyncpa.u1 $0x1  }
0x3f: {  	[sflag:s31] =	ssyncpa.u1 $0x1  }
0x40: {  	p0 =	sne.s32 s0, $0x0;
	_ =	strace $0x9000004A  }
0x41: {  	s0 =	sadd.s32 @!p0 $0x100000, s1;
	[bflag:$0x2] =	sbarrier.arrive $0xFFFF  }
0x42: {  	[sflag:s0] =	ssyncadd.tile.s32 @!p0 $0x1;
	_ =	shalt  }
.Lfunc_end1:
_tile_overlayer_lowered:
.L_overlay_start_2:
0x43: {  	(tag) =	ssettag $0x2  }
0x44: {  	s0 =	rddreg [dreg:$0x0];
	s2 =	stileid.u32  }
0x45: {  	s1 =	rddreg [dreg:$0x1];
	p0 =	sne.s32 s2, $0x0  }
0x46: {  	s3 =	rddreg [dreg:$0x2];
	[bflag:$0x3] =	sbarrier.arrive $0xFFFF;
	s2 =	simm.s32 @!p0 $0x1C01  }
0x47: {  	[timem:s3], [sflag:s2] =	dma.local @!p0 [hbm:s0], s1  }
0x48: {  	s0 =	simm.s32 @!p0 $0x1  }
0x49: {  	_ =	swait.ge @!p0 [sflag:s0], s1  }
0x4a: {  	s1 =	ssub.s32 @!p0 $0x0, s1;
	[sflag:s0] =	ssyncset.done @!p0 $0x0  }
0x4b: {  	[sflag:s0] =	ssyncadd.s32 @!p0 s1  }
0x4c: {  	[bflag:$0x3] =	sbarrier.arrive $0xFFFF  }
0x4d: {  	_ =	shalt  }

</sc_bundles>
